<compile_context>
chip_gen: v7x
topology: tpu7x:2x2x1
jax: 0.10.2.dev20260603
libtpu: 0.0.44.dev20260713+nightly
codegen_flags: <defaults>
</compile_context>

<pallas_src>
import math

import jax
import jax.numpy as jnp
import numpy as np
from jax import lax
from jax.experimental import pallas as pl
from jax.experimental.pallas import tpu as pltpu
from jax.experimental.pallas import tpu_sc as plsc

B = 1024
S = 50
V = 1000
NB = 100000
CAP = 30.0

NC = 2
NS = 16
NW = NC * NS
LANES = 16
BPW = B // NW
TPB = S - 1
TPW = BPW * TPB
K = 56
NCHUNK = TPW // K
NG = TPW // LANES
NFULL = V // LANES
TAIL_OFF = V - LANES
TAIL_NEW = V - NFULL * LANES

_F1 = np.float32(1.0)
_INV_CAP = np.float32(1.0 / CAP)
_CAPF = np.float32(CAP)


def _captanh(x):
    y = x * _INV_CAP
    t = jnp.exp(jnp.abs(y) * np.float32(-2.0))
    z = _CAPF * (_F1 - t) / (_F1 + t)
    return jnp.where(y < np.float32(0.0), -z, z)


def _sc_body(ids_hbm, tgt_hbm, w_hbm, out_a, out_s,
             ids_v, tgt_v, hidx_v, ttok_v, rows0, rows1,
             stage_zm, stage_sv, stage_a, stage_os, sem0, sem1):
    wid = lax.axis_index("s") * NC + lax.axis_index("c")
    b0 = wid * BPW
    lane = lax.broadcasted_iota(jnp.int32, (LANES,), 0)
    col0 = lane * 0

    pltpu.sync_copy(ids_hbm.at[pl.ds(b0, BPW), :], ids_v)
    pltpu.sync_copy(tgt_hbm.at[pl.ds(b0, BPW), :], tgt_v)

    def hash_body(_, kb):
        k16 = kb + lane
        r = lax.div(k16, np.int32(TPB))
        sm1 = lax.rem(k16, np.int32(TPB))
        s = sm1 + 1
        p1 = plsc.load_gather(ids_v, [r, s])
        p2 = plsc.load_gather(ids_v, [r, sm1])
        h = lax.rem((p2 * np.int32(1000003)) ^ (p1 * np.int32(92821)),
                    np.int32(NB))
        hidx_v[pl.ds(kb, LANES)] = h
        ttok_v[pl.ds(kb, LANES)] = plsc.load_gather(tgt_v, [r, s])
        return kb + np.int32(LANES)

    lax.fori_loop(0, NG, hash_body, np.int32(0))

    def _dma(c, rows, sem):
        return pltpu.make_async_copy(
            w_hbm.at[hidx_v.at[pl.ds(c * K, K)]], rows, sem)

    def _process(c, rows):
        def tok_body(_, i):
            def max_body(_, om):
                off, m = om
                m = jnp.maximum(m, rows[i, pl.ds(off, LANES)])
                return off + np.int32(LANES), m
            _, m_vec = lax.fori_loop(
                0, NFULL, max_body,
                (np.int32(0), jnp.full((LANES,), -np.inf, jnp.float32)))
            m_vec = jnp.maximum(m_vec, rows[i, pl.ds(TAIL_OFF, LANES)])
            zmax_vec = _captanh(jnp.full((LANES,), jnp.max(m_vec),
                                         jnp.float32))
            def sum_body(_, oa):
                off, acc = oa
                e = jnp.exp(_captanh(rows[i, pl.ds(off, LANES)])
                            - zmax_vec)
                return off + np.int32(LANES), acc + e
            _, acc = lax.fori_loop(0, NFULL, sum_body,
                                   (np.int32(0),
                                    jnp.zeros((LANES,), jnp.float32)))
            tail = jnp.exp(_captanh(rows[i, pl.ds(TAIL_OFF, LANES)])
                           - zmax_vec)
            tail = jnp.where(lane >= np.int32(LANES - TAIL_NEW), tail,
                             np.float32(0.0))
            s_tot = jnp.sum(acc + tail)
            stage_zm[i, :] = zmax_vec
            stage_sv[i, :] = jnp.full((LANES,), s_tot, jnp.float32)
            return i + np.int32(1)

        lax.fori_loop(0, K, tok_body, np.int32(0))

        for u in range(4):
            i16 = jnp.minimum(u * LANES + lane, np.int32(K - 1))
            t16 = ttok_v[pl.ds(c * K + u * LANES, LANES)]
            t16 = jnp.clip(t16, np.int32(0), np.int32(V - 1))
            z_t = _captanh(plsc.load_gather(rows, [i16, t16]))
            zm16 = plsc.load_gather(stage_zm, [i16, col0])
            s16 = plsc.load_gather(stage_sv, [i16, col0])
            stage_a[pl.ds(u * LANES, LANES)] = zm16 - z_t
            stage_os[pl.ds(u * LANES, LANES)] = s16

        pltpu.sync_copy(stage_a.at[pl.ds(0, K)], out_a.at[wid, c])
        pltpu.sync_copy(stage_os.at[pl.ds(0, K)], out_s.at[wid, c])

    _dma(0, rows0, sem0).start()

    def pair_body(_, c0):
        for bsel in range(2):
            rows, sem = (rows0, sem0) if bsel == 0 else (rows1, sem1)
            orows, osem = (rows1, sem1) if bsel == 0 else (rows0, sem0)
            c = c0 + np.int32(bsel)
            _dma(c, rows, sem).wait()
            if bsel == 0:
                _dma(c + np.int32(1), orows, osem).start()
            else:
                @pl.when(c < np.int32(NCHUNK - 1))
                def _():
                    _dma(c + np.int32(1), orows, osem).start()
            _process(c, rows)
        return c0 + np.int32(2)

    lax.fori_loop(0, NCHUNK // 2, pair_body, np.int32(0))


_sc_kernel = pl.kernel(
    _sc_body,
    out_type=(jax.ShapeDtypeStruct((NW, NCHUNK, K), jnp.float32),
              jax.ShapeDtypeStruct((NW, NCHUNK, K), jnp.float32)),
    mesh=plsc.VectorSubcoreMesh(core_axis_name="c", subcore_axis_name="s"),
    compiler_params=pltpu.CompilerParams(needs_layout_passes=False,
                                         use_tc_tiling_on_sc=False),
    scratch_types=[
        pltpu.VMEM((BPW, S), jnp.int32),
        pltpu.VMEM((BPW, S), jnp.int32),
        pltpu.VMEM((TPW,), jnp.int32),
        pltpu.VMEM((TPW + LANES,), jnp.int32),
        pltpu.VMEM((K, V), jnp.float32),
        pltpu.VMEM((K, V), jnp.float32),
        pltpu.VMEM((K, LANES), jnp.float32),
        pltpu.VMEM((K, LANES), jnp.float32),
        pltpu.VMEM((64,), jnp.float32),
        pltpu.VMEM((64,), jnp.float32),
        pltpu.SemaphoreType.DMA,
        pltpu.SemaphoreType.DMA,
    ],
)


def _finish_body(a_ref, s_ref, o_ref):
    nll_sum = jnp.sum(a_ref[...] + jnp.log(s_ref[...]))
    o_ref[0, 0] = (nll_sum + np.float32(B * math.log(V))) / np.float32(B * S)


_finish = pl.pallas_call(
    _finish_body,
    out_shape=jax.ShapeDtypeStruct((1, 1), jnp.float32),
    out_specs=pl.BlockSpec(memory_space=pltpu.SMEM),
)


def kernel(input_ids, target_ids, W):
    ids = input_ids.astype(jnp.int32)
    tgt = target_ids.astype(jnp.int32)
    W = W.astype(jnp.float32)
    out_a, out_s = _sc_kernel(ids, tgt, W)
    res = _finish(out_a.reshape(NW, NCHUNK * K), out_s.reshape(NW, NCHUNK * K))
    return res[0, 0]

# --- scband reference (transcript-rebuilt; emitter-appended) ---
"""Pipeline reference for scband-hashed-markov2-lm-26104811225256 (READ-ONLY COPY).

The authoritative reference and input builder live on the scoring server;
editing this copy changes nothing except your own understanding.
"""

import jax, jax.numpy as jnp
import numpy as np
jax.config.update("jax_enable_x64", True)

NUM_BUCKETS = 100000
VOCAB = 1000
SOFTCAP = 30.0
BATCH = 1024
SEQ = 50


def setup_inputs(seed: int = 0) -> dict:
    key = jax.random.key(seed)
    k1, k2, k3 = jax.random.split(key, 3)
    input_ids = jax.random.randint(k1, (BATCH, SEQ), 0, VOCAB, dtype=jnp.int64)
    target_ids = jax.random.randint(k2, (BATCH, SEQ), 0, VOCAB, dtype=jnp.int64)
    # learned parameter: transition_logits [num_buckets, vocab]
    W = jax.random.normal(k3, (NUM_BUCKETS, VOCAB), dtype=jnp.float32) * 0.02
    return {"input_ids": input_ids, "target_ids": target_ids, "W": W}


def _forward_logits(input_ids, W):
    B, S = input_ids.shape
    prev1 = input_ids.astype(jnp.int64)
    prev2 = jnp.roll(prev1, shift=1, axis=1)
    prev2 = prev2.at[:, 0].set(0)
    hashed = ((prev2 * 1000003) ^ (prev1 * 92821)) % NUM_BUCKETS
    logits_proj = jnp.take(W, hashed.reshape(-1), axis=0)
    logits_proj = logits_proj.reshape(B, S, -1)
    logits_proj = logits_proj.at[:, 0, :].set(0.0)
    logits_proj = logits_proj.reshape(-1, VOCAB)
    return SOFTCAP * jnp.tanh(logits_proj / SOFTCAP)


def reference(input_ids, target_ids, W):
    targets = target_ids.reshape(-1)
    logits = _forward_logits(input_ids, W).astype(jnp.float32)
    logp = jax.nn.log_softmax(logits, axis=-1)
    nll = -jnp.take_along_axis(logp, targets[:, None], axis=1)[:, 0]
    return jnp.mean(nll)

if __name__ == "__main__":
    import jax
    _d = setup_inputs()
    print(jax.jit(kernel)(*tuple(_d.values())))

</pallas_src>

<mosaic_0001>
#map = affine_map<(d0, d1) -> (0, 0)>
#map1 = affine_map<(d0, d1) -> (0, 0, 0)>
module attributes {stable_mosaic.version = 14 : i64} {
  func.func @_sc_body(%arg0: i32, %arg1: i32, %arg2: memref<1024x50xi32, #tpu.memory_space<hbm>>, %arg3: memref<1024x50xi32, #tpu.memory_space<hbm>>, %arg4: memref<100000x1000xf32, #tpu.memory_space<hbm>>, %arg5: memref<32x28x56xf32, #tpu.memory_space<hbm>>, %arg6: memref<32x28x56xf32, #tpu.memory_space<hbm>>, %arg7: memref<32x50xi32, #tpu.memory_space<vmem>>, %arg8: memref<32x50xi32, #tpu.memory_space<vmem>>, %arg9: memref<1568xi32, #tpu.memory_space<vmem>>, %arg10: memref<1584xi32, #tpu.memory_space<vmem>>, %arg11: memref<56x1000xf32, #tpu.memory_space<vmem>>, %arg12: memref<56x1000xf32, #tpu.memory_space<vmem>>, %arg13: memref<56x16xf32, #tpu.memory_space<vmem>>, %arg14: memref<56x16xf32, #tpu.memory_space<vmem>>, %arg15: memref<64xf32, #tpu.memory_space<vmem>>, %arg16: memref<64xf32, #tpu.memory_space<vmem>>, %arg17: memref<!tpu.dma_semaphore, #tpu.memory_space<semaphore_mem>>, %arg18: memref<!tpu.dma_semaphore, #tpu.memory_space<semaphore_mem>>) attributes {dimension_semantics = [#tpu.dimension_semantics<core_parallel>, #tpu.dimension_semantics<subcore_parallel>], iteration_bounds = array<i64: 2, 16>, scalar_prefetch = 0 : i64, scratch_operands = 12 : i64, tpu.core_type = #tpu.core_type<sc_vector_subcore>, window_params = [{transform_indices = #map}, {transform_indices = #map}, {transform_indices = #map}, {transform_indices = #map1}, {transform_indices = #map1}]} {
    %mul3A = arith.constant 2 : i32
    %mul3A_0 = arith.muli %arg1, %mul3A : i32
    %add3A = arith.addi %mul3A_0, %arg0 : i32
    %mul3A_1 = arith.constant 32 : i32
    %mul3A_2 = arith.muli %add3A, %mul3A_1 : i32
    %iota3A = tpu.iota {dimensions = array<i32: 0>} : vector<16xi32>
    %mul3A_3 = arith.constant 0 : i32
    %mul3A_4 = vector.broadcast %mul3A_3 : i32 to vector<16xi32>
    %mul3A_5 = arith.muli %iota3A, %mul3A_4 : vector<16xi32>
    "tpu.region"() ({
      %run_scoped3A = tpu.sem_alloc : memref<!tpu.dma_semaphore, #tpu.memory_space<semaphore_mem>>
      %dma_start3A_23 = arith.constant 0 : i32
      %dma_start3A_24 = tpu.memref_slice %arg2[%mul3A_2, %dma_start3A_23] : memref<1024x50xi32, #tpu.memory_space<hbm>> -> memref<32x50xi32, #tpu.memory_space<hbm>>
      %dma_start3A_25 = arith.constant 0 : i32
      %dma_start3A_26 = tpu.memref_slice %arg2[%mul3A_2, %dma_start3A_25] : memref<1024x50xi32, #tpu.memory_space<hbm>> -> memref<32x50xi32, #tpu.memory_space<hbm>>
      tpu.enqueue_dma source(%dma_start3A_26 : memref<32x50xi32, #tpu.memory_space<hbm>>) target(%arg7 : memref<32x50xi32, #tpu.memory_space<vmem>>) target_semaphore(%run_scoped3A : memref<!tpu.dma_semaphore, #tpu.memory_space<semaphore_mem>>)
      %dma_wait3A = arith.constant 0 : i32
      %dma_wait3A_27 = tpu.memref_slice %arg2[%mul3A_2, %dma_wait3A] : memref<1024x50xi32, #tpu.memory_space<hbm>> -> memref<32x50xi32, #tpu.memory_space<hbm>>
      %dma_wait3A_28 = arith.constant 0 : i32
      %dma_wait3A_29 = tpu.memref_slice %arg2[%mul3A_2, %dma_wait3A_28] : memref<1024x50xi32, #tpu.memory_space<hbm>> -> memref<32x50xi32, #tpu.memory_space<hbm>>
      tpu.wait_dma2 semaphore(%run_scoped3A : memref<!tpu.dma_semaphore, #tpu.memory_space<semaphore_mem>>) src(%dma_wait3A_29 : memref<32x50xi32, #tpu.memory_space<hbm>>) dst(%arg7 : memref<32x50xi32, #tpu.memory_space<vmem>>)
      tpu.yield
    }) : () -> ()
    "tpu.region"() ({
      %run_scoped3A = tpu.sem_alloc : memref<!tpu.dma_semaphore, #tpu.memory_space<semaphore_mem>>
      %dma_start3A_23 = arith.constant 0 : i32
      %dma_start3A_24 = tpu.memref_slice %arg3[%mul3A_2, %dma_start3A_23] : memref<1024x50xi32, #tpu.memory_space<hbm>> -> memref<32x50xi32, #tpu.memory_space<hbm>>
      %dma_start3A_25 = arith.constant 0 : i32
      %dma_start3A_26 = tpu.memref_slice %arg3[%mul3A_2, %dma_start3A_25] : memref<1024x50xi32, #tpu.memory_space<hbm>> -> memref<32x50xi32, #tpu.memory_space<hbm>>
      tpu.enqueue_dma source(%dma_start3A_26 : memref<32x50xi32, #tpu.memory_space<hbm>>) target(%arg8 : memref<32x50xi32, #tpu.memory_space<vmem>>) target_semaphore(%run_scoped3A : memref<!tpu.dma_semaphore, #tpu.memory_space<semaphore_mem>>)
      %dma_wait3A = arith.constant 0 : i32
      %dma_wait3A_27 = tpu.memref_slice %arg3[%mul3A_2, %dma_wait3A] : memref<1024x50xi32, #tpu.memory_space<hbm>> -> memref<32x50xi32, #tpu.memory_space<hbm>>
      %dma_wait3A_28 = arith.constant 0 : i32
      %dma_wait3A_29 = tpu.memref_slice %arg3[%mul3A_2, %dma_wait3A_28] : memref<1024x50xi32, #tpu.memory_space<hbm>> -> memref<32x50xi32, #tpu.memory_space<hbm>>
      tpu.wait_dma2 semaphore(%run_scoped3A : memref<!tpu.dma_semaphore, #tpu.memory_space<semaphore_mem>>) src(%dma_wait3A_29 : memref<32x50xi32, #tpu.memory_space<hbm>>) dst(%arg8 : memref<32x50xi32, #tpu.memory_space<vmem>>)
      tpu.yield
    }) : () -> ()
    %scan3A = arith.constant 0 : i32
    %scan3A_6 = arith.constant 0 : i32
    %scan3A_7 = arith.constant 98 : i32
    %scan3A_8 = arith.addi %scan3A_6, %scan3A_7 : i32
    %scan3A_9 = arith.constant 1 : i32
    %scan3A_10 = scf.for %scan3A_23 = %scan3A_6 to %scan3A_8 step %scan3A_9 iter_args(%scan3A_24 = %scan3A) -> (i32)  : i32 {
      %add3A_25 = vector.broadcast %scan3A_24 : i32 to vector<16xi32>
      %add3A_26 = arith.addi %add3A_25, %iota3A : vector<16xi32>
      %div3A = arith.constant 49 : i32
      %div3A_27 = vector.broadcast %div3A : i32 to vector<16xi32>
      %div3A_28 = arith.divsi %add3A_26, %div3A_27 : vector<16xi32>
      %rem3A = arith.constant 49 : i32
      %rem3A_29 = vector.broadcast %rem3A : i32 to vector<16xi32>
      %rem3A_30 = arith.remsi %add3A_26, %rem3A_29 : vector<16xi32>
      %add3A_31 = arith.constant 1 : i32
      %add3A_32 = vector.broadcast %add3A_31 : i32 to vector<16xi32>
      %add3A_33 = arith.addi %rem3A_30, %add3A_32 : vector<16xi32>
      %gather3A = tpu.vector_load_idx %arg7[%div3A_28, %add3A_33] : memref<32x50xi32, #tpu.memory_space<vmem>>[vector<16xi32>, vector<16xi32>], vector<16xi32>,
      %gather3A_34 = tpu.vector_load_idx %arg7[%div3A_28, %rem3A_30] : memref<32x50xi32, #tpu.memory_space<vmem>>[vector<16xi32>, vector<16xi32>], vector<16xi32>,
      %mul3A_35 = arith.constant 1000003 : i32
      %mul3A_36 = vector.broadcast %mul3A_35 : i32 to vector<16xi32>
      %mul3A_37 = arith.muli %gather3A_34, %mul3A_36 : vector<16xi32>
      %mul3A_38 = arith.constant 92821 : i32
      %mul3A_39 = vector.broadcast %mul3A_38 : i32 to vector<16xi32>
      %mul3A_40 = arith.muli %gather3A, %mul3A_39 : vector<16xi32>
      %xor3A = arith.xori %mul3A_37, %mul3A_40 : vector<16xi32>
      %rem3A_41 = arith.constant 100000 : i32
      %rem3A_42 = vector.broadcast %rem3A_41 : i32 to vector<16xi32>
      %rem3A_43 = arith.remsi %xor3A, %rem3A_42 : vector<16xi32>
      %swap3A = arith.index_cast %scan3A_24 : i32 to index
      %swap3A_44 = tpu.vector_load %arg9[%swap3A] {strides = array<i32>} : memref<1568xi32, #tpu.memory_space<vmem>>, vector<16xi32>,
      tpu.vector_store %arg9[%swap3A], %rem3A_43 {strides = array<i32>} : memref<1568xi32, #tpu.memory_space<vmem>>, vector<16xi32>,
      %gather3A_45 = tpu.vector_load_idx %arg8[%div3A_28, %add3A_33] : memref<32x50xi32, #tpu.memory_space<vmem>>[vector<16xi32>, vector<16xi32>], vector<16xi32>,
      %swap3A_46 = arith.index_cast %scan3A_24 : i32 to index
      %swap3A_47 = tpu.vector_load %arg10[%swap3A_46] {strides = array<i32>} : memref<1584xi32, #tpu.memory_space<vmem>>, vector<16xi32>,
      tpu.vector_store %arg10[%swap3A_46], %gather3A_45 {strides = array<i32>} : memref<1584xi32, #tpu.memory_space<vmem>>, vector<16xi32>,
      %add3A_48 = arith.constant 16 : i32
      %add3A_49 = arith.addi %scan3A_24, %add3A_48 : i32
      scf.yield %add3A_49 : i32
    }
    %scan3A_11 = arith.constant 98 : i32
    %dma_start3A = arith.constant 0 : i32
    %dma_start3A_12 = tpu.memref_slice %arg9[%dma_start3A] : memref<1568xi32, #tpu.memory_space<vmem>> -> memref<56xi32, #tpu.memory_space<vmem>>
    %dma_start3A_13 = arith.constant 0 : i32
    %dma_start3A_14 = arith.constant 0 : i32
    %dma_start3A_15 = tpu.memref_slice %arg4[%dma_start3A_13, %dma_start3A_14] : memref<100000x1000xf32, #tpu.memory_space<hbm>> -> memref<100000x1000xf32, #tpu.memory_space<hbm>>
    tpu.enqueue_indirect_dma source(%dma_start3A_15 : memref<100000x1000xf32, #tpu.memory_space<hbm>>) target(%arg11 : memref<56x1000xf32, #tpu.memory_space<vmem>>) offsets(%dma_start3A_12 : memref<56xi32, #tpu.memory_space<vmem>>) semaphore(%arg17 : memref<!tpu.dma_semaphore, #tpu.memory_space<semaphore_mem>>)
    %scan3A_16 = arith.constant 0 : i32
    %scan3A_17 = arith.constant 0 : i32
    %scan3A_18 = arith.constant 14 : i32
    %scan3A_19 = arith.addi %scan3A_17, %scan3A_18 : i32
    %scan3A_20 = arith.constant 1 : i32
    %scan3A_21 = scf.for %scan3A_23 = %scan3A_17 to %scan3A_19 step %scan3A_20 iter_args(%scan3A_24 = %scan3A_16) -> (i32)  : i32 {
      %add3A_25 = arith.constant 0 : i32
      %add3A_26 = arith.addi %scan3A_24, %add3A_25 : i32
      %mul3A_27 = arith.constant 56 : i32
      %mul3A_28 = arith.muli %add3A_26, %mul3A_27 : i32
      %dma_wait3A = tpu.memref_slice %arg9[%mul3A_28] : memref<1568xi32, #tpu.memory_space<vmem>> -> memref<56xi32, #tpu.memory_space<vmem>>
      %dma_wait3A_29 = arith.constant 0 : i32
      %dma_wait3A_30 = arith.constant 0 : i32
      %dma_wait3A_31 = tpu.memref_slice %arg4[%dma_wait3A_29, %dma_wait3A_30] : memref<100000x1000xf32, #tpu.memory_space<hbm>> -> memref<100000x1000xf32, #tpu.memory_space<hbm>>
      tpu.wait_indirect_dma semaphore(%arg17 : memref<!tpu.dma_semaphore, #tpu.memory_space<semaphore_mem>>) src(%dma_wait3A_31 : memref<100000x1000xf32, #tpu.memory_space<hbm>>) dst(%arg11 : memref<56x1000xf32, #tpu.memory_space<vmem>>)
      %add3A_32 = arith.constant 1 : i32
      %add3A_33 = arith.addi %add3A_26, %add3A_32 : i32
      %mul3A_34 = arith.constant 56 : i32
      %mul3A_35 = arith.muli %add3A_33, %mul3A_34 : i32
      %dma_start3A_36 = tpu.memref_slice %arg9[%mul3A_35] : memref<1568xi32, #tpu.memory_space<vmem>> -> memref<56xi32, #tpu.memory_space<vmem>>
      %dma_start3A_37 = arith.constant 0 : i32
      %dma_start3A_38 = arith.constant 0 : i32
      %dma_start3A_39 = tpu.memref_slice %arg4[%dma_start3A_37, %dma_start3A_38] : memref<100000x1000xf32, #tpu.memory_space<hbm>> -> memref<100000x1000xf32, #tpu.memory_space<hbm>>
      tpu.enqueue_indirect_dma source(%dma_start3A_39 : memref<100000x1000xf32, #tpu.memory_space<hbm>>) target(%arg12 : memref<56x1000xf32, #tpu.memory_space<vmem>>) offsets(%dma_start3A_36 : memref<56xi32, #tpu.memory_space<vmem>>) semaphore(%arg18 : memref<!tpu.dma_semaphore, #tpu.memory_space<semaphore_mem>>)
      %scan3A_40 = arith.constant 0 : i32
      %scan3A_41 = arith.constant 0 : i32
      %scan3A_42 = arith.constant 56 : i32
      %scan3A_43 = arith.addi %scan3A_41, %scan3A_42 : i32
      %scan3A_44 = arith.constant 1 : i32
      %scan3A_45 = scf.for %scan3A_462 = %scan3A_41 to %scan3A_43 step %scan3A_44 iter_args(%scan3A_463 = %scan3A_40) -> (i32)  : i32 {
        %broadcast_in_dim3A = arith.constant 0xFF800000 : f32
        %broadcast_in_dim3A_464 = vector.broadcast %broadcast_in_dim3A : f32 to vector<16xf32>
        %scan3A_465 = arith.constant 0 : i32
        %scan3A_466 = arith.constant 0 : i32
        %scan3A_467 = arith.constant 62 : i32
        %scan3A_468 = arith.addi %scan3A_466, %scan3A_467 : i32
        %scan3A_469 = arith.constant 1 : i32
        %scan3A_470:2 = scf.for %scan3A_562 = %scan3A_466 to %scan3A_468 step %scan3A_469 iter_args(%scan3A_563 = %scan3A_465, %scan3A_564 = %broadcast_in_dim3A_464) -> (i32, vector<16xf32>)  : i32 {
          %get3A_565 = arith.index_cast %scan3A_463 : i32 to index
          %get3A_566 = arith.index_cast %scan3A_563 : i32 to index
          %get3A_567 = tpu.vector_load %arg11[%get3A_565, %get3A_566] {strides = array<i32>} : memref<56x1000xf32, #tpu.memory_space<vmem>>, vector<16xf32>,
          %max3A_568 = arith.maximumf %scan3A_564, %get3A_567 : vector<16xf32>
          %add3A_569 = arith.constant 16 : i32
          %add3A_570 = arith.addi %scan3A_563, %add3A_569 : i32
          scf.yield %add3A_570, %max3A_568 : i32, vector<16xf32>
        }
        %scan3A_471 = arith.constant 62 : i32
        %get3A_472 = arith.index_cast %scan3A_463 : i32 to index
        %get3A_473 = arith.constant 984 : index
        %get3A_474 = tpu.vector_load %arg11[%get3A_472, %get3A_473] {strides = array<i32>} : memref<56x1000xf32, #tpu.memory_space<vmem>>, vector<16xf32>,
        %max3A_475 = arith.maximumf %scan3A_470#1, %get3A_474 : vector<16xf32>
        %reduce_max3A = arith.constant true
        %reduce_max3A_476 = vector.broadcast %reduce_max3A : i1 to vector<16xi1>
        %reduce_max3A_477 = tpu.scan <max>, %max3A_475 masked %reduce_max3A_476 : vector<16xf32>, vector<16xi1> -> vector<16xf32>
        %reduce_max3A_478 = vector.extract %reduce_max3A_477[15] : f32 from vector<16xf32>
        %broadcast_in_dim3A_479 = vector.broadcast %reduce_max3A_478 : f32 to vector<16xf32>
        %mul3A_480 = arith.constant 0.0333333351 : f32
        %mul3A_481 = vector.broadcast %mul3A_480 : f32 to vector<16xf32>
        %mul3A_482 = arith.mulf %broadcast_in_dim3A_479, %mul3A_481 : vector<16xf32>
        %abs3A_483 = math.absf %mul3A_482 : vector<16xf32>
        %mul3A_484 = arith.constant -2.000000e+00 : f32
        %mul3A_485 = vector.broadcast %mul3A_484 : f32 to vector<16xf32>
        %mul3A_486 = arith.mulf %abs3A_483, %mul3A_485 : vector<16xf32>
        %exp3A_487 = math.exp %mul3A_486 : vector<16xf32>
        %sub3A_488 = arith.constant 1.000000e+00 : f32
        %sub3A_489 = vector.broadcast %sub3A_488 : f32 to vector<16xf32>
        %sub3A_490 = arith.subf %sub3A_489, %exp3A_487 : vector<16xf32>
        %mul3A_491 = arith.constant 3.000000e+01 : f32
        %mul3A_492 = vector.broadcast %mul3A_491 : f32 to vector<16xf32>
        %mul3A_493 = arith.mulf %mul3A_492, %sub3A_490 : vector<16xf32>
        %add3A_494 = arith.constant 1.000000e+00 : f32
        %add3A_495 = vector.broadcast %add3A_494 : f32 to vector<16xf32>
        %add3A_496 = arith.addf %add3A_495, %exp3A_487 : vector<16xf32>
        %div3A_497 = arith.divf %mul3A_493, %add3A_496 : vector<16xf32>
        %lt3A_498 = arith.constant 0.000000e+00 : f32
        %lt3A_499 = vector.broadcast %lt3A_498 : f32 to vector<16xf32>
        %lt3A_500 = arith.cmpf olt, %mul3A_482, %lt3A_499 : vector<16xf32>
        %neg3A_501 = arith.constant 0.000000e+00 : f32
        %neg3A_502 = vector.broadcast %neg3A_501 : f32 to vector<16xf32>
        %neg3A_503 = arith.subf %neg3A_502, %div3A_497 : vector<16xf32>
        %select_n3A_504 = arith.select %lt3A_500, %neg3A_503, %div3A_497 : vector<16xi1>, vector<16xf32>
        %broadcast_in_dim3A_505 = arith.constant 0.000000e+00 : f32
        %broadcast_in_dim3A_506 = vector.broadcast %broadcast_in_dim3A_505 : f32 to vector<16xf32>
        %scan3A_507 = arith.constant 0 : i32
        %scan3A_508 = arith.constant 0 : i32
        %scan3A_509 = arith.constant 62 : i32
        %scan3A_510 = arith.addi %scan3A_508, %scan3A_509 : i32
        %scan3A_511 = arith.constant 1 : i32
        %scan3A_512:2 = scf.for %scan3A_562 = %scan3A_508 to %scan3A_510 step %scan3A_511 iter_args(%scan3A_563 = %scan3A_507, %scan3A_564 = %broadcast_in_dim3A_506) -> (i32, vector<16xf32>)  : i32 {
          %get3A_565 = arith.index_cast %scan3A_463 : i32 to index
          %get3A_566 = arith.index_cast %scan3A_563 : i32 to index
          %get3A_567 = tpu.vector_load %arg11[%get3A_565, %get3A_566] {strides = array<i32>} : memref<56x1000xf32, #tpu.memory_space<vmem>>, vector<16xf32>,
          %mul3A_568 = arith.constant 0.0333333351 : f32
          %mul3A_569 = vector.broadcast %mul3A_568 : f32 to vector<16xf32>
          %mul3A_570 = arith.mulf %get3A_567, %mul3A_569 : vector<16xf32>
          %abs3A_571 = math.absf %mul3A_570 : vector<16xf32>
          %mul3A_572 = arith.constant -2.000000e+00 : f32
          %mul3A_573 = vector.broadcast %mul3A_572 : f32 to vector<16xf32>
          %mul3A_574 = arith.mulf %abs3A_571, %mul3A_573 : vector<16xf32>
          %exp3A_575 = math.exp %mul3A_574 : vector<16xf32>
          %sub3A_576 = arith.constant 1.000000e+00 : f32
          %sub3A_577 = vector.broadcast %sub3A_576 : f32 to vector<16xf32>
          %sub3A_578 = arith.subf %sub3A_577, %exp3A_575 : vector<16xf32>
          %mul3A_579 = arith.constant 3.000000e+01 : f32
          %mul3A_580 = vector.broadcast %mul3A_579 : f32 to vector<16xf32>
          %mul3A_581 = arith.mulf %mul3A_580, %sub3A_578 : vector<16xf32>
          %add3A_582 = arith.constant 1.000000e+00 : f32
          %add3A_583 = vector.broadcast %add3A_582 : f32 to vector<16xf32>
          %add3A_584 = arith.addf %add3A_583, %exp3A_575 : vector<16xf32>
          %div3A_585 = arith.divf %mul3A_581, %add3A_584 : vector<16xf32>
          %lt3A_586 = arith.constant 0.000000e+00 : f32
          %lt3A_587 = vector.broadcast %lt3A_586 : f32 to vector<16xf32>
          %lt3A_588 = arith.cmpf olt, %mul3A_570, %lt3A_587 : vector<16xf32>
          %neg3A_589 = arith.constant 0.000000e+00 : f32
          %neg3A_590 = vector.broadcast %neg3A_589 : f32 to vector<16xf32>
          %neg3A_591 = arith.subf %neg3A_590, %div3A_585 : vector<16xf32>
          %select_n3A_592 = arith.select %lt3A_588, %neg3A_591, %div3A_585 : vector<16xi1>, vector<16xf32>
          %sub3A_593 = arith.subf %select_n3A_592, %select_n3A_504 : vector<16xf32>
          %exp3A_594 = math.exp %sub3A_593 : vector<16xf32>
          %add3A_595 = arith.constant 16 : i32
          %add3A_596 = arith.addi %scan3A_563, %add3A_595 : i32
          %add3A_597 = arith.addf %scan3A_564, %exp3A_594 : vector<16xf32>
          scf.yield %add3A_596, %add3A_597 : i32, vector<16xf32>
        }
        %scan3A_513 = arith.constant 62 : i32
        %get3A_514 = arith.index_cast %scan3A_463 : i32 to index
        %get3A_515 = arith.constant 984 : index
        %get3A_516 = tpu.vector_load %arg11[%get3A_514, %get3A_515] {strides = array<i32>} : memref<56x1000xf32, #tpu.memory_space<vmem>>, vector<16xf32>,
        %mul3A_517 = arith.constant 0.0333333351 : f32
        %mul3A_518 = vector.broadcast %mul3A_517 : f32 to vector<16xf32>
        %mul3A_519 = arith.mulf %get3A_516, %mul3A_518 : vector<16xf32>
        %abs3A_520 = math.absf %mul3A_519 : vector<16xf32>
        %mul3A_521 = arith.constant -2.000000e+00 : f32
        %mul3A_522 = vector.broadcast %mul3A_521 : f32 to vector<16xf32>
        %mul3A_523 = arith.mulf %abs3A_520, %mul3A_522 : vector<16xf32>
        %exp3A_524 = math.exp %mul3A_523 : vector<16xf32>
        %sub3A_525 = arith.constant 1.000000e+00 : f32
        %sub3A_526 = vector.broadcast %sub3A_525 : f32 to vector<16xf32>
        %sub3A_527 = arith.subf %sub3A_526, %exp3A_524 : vector<16xf32>
        %mul3A_528 = arith.constant 3.000000e+01 : f32
        %mul3A_529 = vector.broadcast %mul3A_528 : f32 to vector<16xf32>
        %mul3A_530 = arith.mulf %mul3A_529, %sub3A_527 : vector<16xf32>
        %add3A_531 = arith.constant 1.000000e+00 : f32
        %add3A_532 = vector.broadcast %add3A_531 : f32 to vector<16xf32>
        %add3A_533 = arith.addf %add3A_532, %exp3A_524 : vector<16xf32>
        %div3A_534 = arith.divf %mul3A_530, %add3A_533 : vector<16xf32>
        %lt3A_535 = arith.constant 0.000000e+00 : f32
        %lt3A_536 = vector.broadcast %lt3A_535 : f32 to vector<16xf32>
        %lt3A_537 = arith.cmpf olt, %mul3A_519, %lt3A_536 : vector<16xf32>
        %neg3A_538 = arith.constant 0.000000e+00 : f32
        %neg3A_539 = vector.broadcast %neg3A_538 : f32 to vector<16xf32>
        %neg3A_540 = arith.subf %neg3A_539, %div3A_534 : vector<16xf32>
        %select_n3A_541 = arith.select %lt3A_537, %neg3A_540, %div3A_534 : vector<16xi1>, vector<16xf32>
        %sub3A_542 = arith.subf %select_n3A_541, %select_n3A_504 : vector<16xf32>
        %exp3A_543 = math.exp %sub3A_542 : vector<16xf32>
        %ge3A = arith.constant 8 : i32
        %ge3A_544 = vector.broadcast %ge3A : i32 to vector<16xi32>
        %ge3A_545 = arith.cmpi sge, %iota3A, %ge3A_544 : vector<16xi32>
        %jit3A_546 = arith.constant 0.000000e+00 : f32
        %broadcast_in_dim3A_547 = vector.broadcast %jit3A_546 : f32 to vector<16xf32>
        %select_n3A_548 = arith.select %ge3A_545, %exp3A_543, %broadcast_in_dim3A_547 : vector<16xi1>, vector<16xf32>
        %add3A_549 = arith.addf %scan3A_512#1, %select_n3A_548 : vector<16xf32>
        %reduce_sum3A = arith.constant true
        %reduce_sum3A_550 = vector.broadcast %reduce_sum3A : i1 to vector<16xi1>
        %reduce_sum3A_551 = tpu.scan <sum>, %add3A_549 masked %reduce_sum3A_550 : vector<16xf32>, vector<16xi1> -> vector<16xf32>
        %reduce_sum3A_552 = vector.extract %reduce_sum3A_551[15] : f32 from vector<16xf32>
        %swap3A_553 = arith.index_cast %scan3A_463 : i32 to index
        %swap3A_554 = arith.constant 0 : index
        %swap3A_555 = tpu.vector_load %arg13[%swap3A_553, %swap3A_554] {strides = array<i32>} : memref<56x16xf32, #tpu.memory_space<vmem>>, vector<16xf32>,
        tpu.vector_store %arg13[%swap3A_553, %swap3A_554], %select_n3A_504 {strides = array<i32>} : memref<56x16xf32, #tpu.memory_space<vmem>>, vector<16xf32>,
        %broadcast_in_dim3A_556 = vector.broadcast %reduce_sum3A_552 : f32 to vector<16xf32>
        %swap3A_557 = arith.index_cast %scan3A_463 : i32 to index
        %swap3A_558 = arith.constant 0 : index
        %swap3A_559 = tpu.vector_load %arg14[%swap3A_557, %swap3A_558] {strides = array<i32>} : memref<56x16xf32, #tpu.memory_space<vmem>>, vector<16xf32>,
        tpu.vector_store %arg14[%swap3A_557, %swap3A_558], %broadcast_in_dim3A_556 {strides = array<i32>} : memref<56x16xf32, #tpu.memory_space<vmem>>, vector<16xf32>,
        %add3A_560 = arith.constant 1 : i32
        %add3A_561 = arith.addi %scan3A_463, %add3A_560 : i32
        scf.yield %add3A_561 : i32
      }
      %scan3A_46 = arith.constant 56 : i32
      %add3A_47 = arith.constant 0 : i32
      %add3A_48 = vector.broadcast %add3A_47 : i32 to vector<16xi32>
      %add3A_49 = arith.addi %add3A_48, %iota3A : vector<16xi32>
      %min3A = arith.constant 55 : i32
      %min3A_50 = vector.broadcast %min3A : i32 to vector<16xi32>
      %min3A_51 = arith.minsi %add3A_49, %min3A_50 : vector<16xi32>
      %mul3A_52 = arith.constant 56 : i32
      %mul3A_53 = arith.muli %add3A_26, %mul3A_52 : i32
      %add3A_54 = arith.constant 0 : i32
      %add3A_55 = arith.addi %mul3A_53, %add3A_54 : i32
      %get3A = arith.index_cast %add3A_55 : i32 to index
      %get3A_56 = tpu.vector_load %arg10[%get3A] {strides = array<i32>} : memref<1584xi32, #tpu.memory_space<vmem>>, vector<16xi32>,
      %jit3A = arith.constant 0 : i32
      %jit3A_57 = arith.constant 999 : i32
      %max3A = vector.broadcast %jit3A : i32 to vector<16xi32>
      %max3A_58 = arith.maxsi %max3A, %get3A_56 : vector<16xi32>
      %min3A_59 = vector.broadcast %jit3A_57 : i32 to vector<16xi32>
      %min3A_60 = arith.minsi %min3A_59, %max3A_58 : vector<16xi32>
      %gather3A = tpu.vector_load_idx %arg11[%min3A_51, %min3A_60] : memref<56x1000xf32, #tpu.memory_space<vmem>>[vector<16xi32>, vector<16xi32>], vector<16xf32>,
      %mul3A_61 = arith.constant 0.0333333351 : f32
      %mul3A_62 = vector.broadcast %mul3A_61 : f32 to vector<16xf32>
      %mul3A_63 = arith.mulf %gather3A, %mul3A_62 : vector<16xf32>
      %abs3A = math.absf %mul3A_63 : vector<16xf32>
      %mul3A_64 = arith.constant -2.000000e+00 : f32
      %mul3A_65 = vector.broadcast %mul3A_64 : f32 to vector<16xf32>
      %mul3A_66 = arith.mulf %abs3A, %mul3A_65 : vector<16xf32>
      %exp3A = math.exp %mul3A_66 : vector<16xf32>
      %sub3A = arith.constant 1.000000e+00 : f32
      %sub3A_67 = vector.broadcast %sub3A : f32 to vector<16xf32>
      %sub3A_68 = arith.subf %sub3A_67, %exp3A : vector<16xf32>
      %mul3A_69 = arith.constant 3.000000e+01 : f32
      %mul3A_70 = vector.broadcast %mul3A_69 : f32 to vector<16xf32>
      %mul3A_71 = arith.mulf %mul3A_70, %sub3A_68 : vector<16xf32>
      %add3A_72 = arith.constant 1.000000e+00 : f32
      %add3A_73 = vector.broadcast %add3A_72 : f32 to vector<16xf32>
      %add3A_74 = arith.addf %add3A_73, %exp3A : vector<16xf32>
      %div3A = arith.divf %mul3A_71, %add3A_74 : vector<16xf32>
      %lt3A = arith.constant 0.000000e+00 : f32
      %lt3A_75 = vector.broadcast %lt3A : f32 to vector<16xf32>
      %lt3A_76 = arith.cmpf olt, %mul3A_63, %lt3A_75 : vector<16xf32>
      %neg3A = arith.constant 0.000000e+00 : f32
      %neg3A_77 = vector.broadcast %neg3A : f32 to vector<16xf32>
      %neg3A_78 = arith.subf %neg3A_77, %div3A : vector<16xf32>
      %select_n3A = arith.select %lt3A_76, %neg3A_78, %div3A : vector<16xi1>, vector<16xf32>
      %gather3A_79 = tpu.vector_load_idx %arg13[%min3A_51, %mul3A_5] : memref<56x16xf32, #tpu.memory_space<vmem>>[vector<16xi32>, vector<16xi32>], vector<16xf32>,
      %gather3A_80 = tpu.vector_load_idx %arg14[%min3A_51, %mul3A_5] : memref<56x16xf32, #tpu.memory_space<vmem>>[vector<16xi32>, vector<16xi32>], vector<16xf32>,
      %sub3A_81 = arith.subf %gather3A_79, %select_n3A : vector<16xf32>
      %swap3A = arith.constant 0 : index
      %swap3A_82 = tpu.vector_load %arg15[%swap3A] {strides = array<i32>} : memref<64xf32, #tpu.memory_space<vmem>>, vector<16xf32>,
      tpu.vector_store %arg15[%swap3A], %sub3A_81 {strides = array<i32>} : memref<64xf32, #tpu.memory_space<vmem>>, vector<16xf32>,
      %swap3A_83 = arith.constant 0 : index
      %swap3A_84 = tpu.vector_load %arg16[%swap3A_83] {strides = array<i32>} : memref<64xf32, #tpu.memory_space<vmem>>, vector<16xf32>,
      tpu.vector_store %arg16[%swap3A_83], %gather3A_80 {strides = array<i32>} : memref<64xf32, #tpu.memory_space<vmem>>, vector<16xf32>,
      %add3A_85 = arith.constant 16 : i32
      %add3A_86 = vector.broadcast %add3A_85 : i32 to vector<16xi32>
      %add3A_87 = arith.addi %add3A_86, %iota3A : vector<16xi32>
      %min3A_88 = arith.constant 55 : i32
      %min3A_89 = vector.broadcast %min3A_88 : i32 to vector<16xi32>
      %min3A_90 = arith.minsi %add3A_87, %min3A_89 : vector<16xi32>
      %mul3A_91 = arith.constant 56 : i32
      %mul3A_92 = arith.muli %add3A_26, %mul3A_91 : i32
      %add3A_93 = arith.constant 16 : i32
      %add3A_94 = arith.addi %mul3A_92, %add3A_93 : i32
      %get3A_95 = arith.index_cast %add3A_94 : i32 to index
      %get3A_96 = tpu.vector_load %arg10[%get3A_95] {strides = array<i32>} : memref<1584xi32, #tpu.memory_space<vmem>>, vector<16xi32>,
      %jit3A_97 = arith.constant 0 : i32
      %jit3A_98 = arith.constant 999 : i32
      %max3A_99 = vector.broadcast %jit3A_97 : i32 to vector<16xi32>
      %max3A_100 = arith.maxsi %max3A_99, %get3A_96 : vector<16xi32>
      %min3A_101 = vector.broadcast %jit3A_98 : i32 to vector<16xi32>
      %min3A_102 = arith.minsi %min3A_101, %max3A_100 : vector<16xi32>
      %gather3A_103 = tpu.vector_load_idx %arg11[%min3A_90, %min3A_102] : memref<56x1000xf32, #tpu.memory_space<vmem>>[vector<16xi32>, vector<16xi32>], vector<16xf32>,
      %mul3A_104 = arith.constant 0.0333333351 : f32
      %mul3A_105 = vector.broadcast %mul3A_104 : f32 to vector<16xf32>
      %mul3A_106 = arith.mulf %gather3A_103, %mul3A_105 : vector<16xf32>
      %abs3A_107 = math.absf %mul3A_106 : vector<16xf32>
      %mul3A_108 = arith.constant -2.000000e+00 : f32
      %mul3A_109 = vector.broadcast %mul3A_108 : f32 to vector<16xf32>
      %mul3A_110 = arith.mulf %abs3A_107, %mul3A_109 : vector<16xf32>
      %exp3A_111 = math.exp %mul3A_110 : vector<16xf32>
      %sub3A_112 = arith.constant 1.000000e+00 : f32
      %sub3A_113 = vector.broadcast %sub3A_112 : f32 to vector<16xf32>
      %sub3A_114 = arith.subf %sub3A_113, %exp3A_111 : vector<16xf32>
      %mul3A_115 = arith.constant 3.000000e+01 : f32
      %mul3A_116 = vector.broadcast %mul3A_115 : f32 to vector<16xf32>
      %mul3A_117 = arith.mulf %mul3A_116, %sub3A_114 : vector<16xf32>
      %add3A_118 = arith.constant 1.000000e+00 : f32
      %add3A_119 = vector.broadcast %add3A_118 : f32 to vector<16xf32>
      %add3A_120 = arith.addf %add3A_119, %exp3A_111 : vector<16xf32>
      %div3A_121 = arith.divf %mul3A_117, %add3A_120 : vector<16xf32>
      %lt3A_122 = arith.constant 0.000000e+00 : f32
      %lt3A_123 = vector.broadcast %lt3A_122 : f32 to vector<16xf32>
      %lt3A_124 = arith.cmpf olt, %mul3A_106, %lt3A_123 : vector<16xf32>
      %neg3A_125 = arith.constant 0.000000e+00 : f32
      %neg3A_126 = vector.broadcast %neg3A_125 : f32 to vector<16xf32>
      %neg3A_127 = arith.subf %neg3A_126, %div3A_121 : vector<16xf32>
      %select_n3A_128 = arith.select %lt3A_124, %neg3A_127, %div3A_121 : vector<16xi1>, vector<16xf32>
      %gather3A_129 = tpu.vector_load_idx %arg13[%min3A_90, %mul3A_5] : memref<56x16xf32, #tpu.memory_space<vmem>>[vector<16xi32>, vector<16xi32>], vector<16xf32>,
      %gather3A_130 = tpu.vector_load_idx %arg14[%min3A_90, %mul3A_5] : memref<56x16xf32, #tpu.memory_space<vmem>>[vector<16xi32>, vector<16xi32>], vector<16xf32>,
      %sub3A_131 = arith.subf %gather3A_129, %select_n3A_128 : vector<16xf32>
      %swap3A_132 = arith.constant 16 : index
      %swap3A_133 = tpu.vector_load %arg15[%swap3A_132] {strides = array<i32>} : memref<64xf32, #tpu.memory_space<vmem>>, vector<16xf32>,
      tpu.vector_store %arg15[%swap3A_132], %sub3A_131 {strides = array<i32>} : memref<64xf32, #tpu.memory_space<vmem>>, vector<16xf32>,
      %swap3A_134 = arith.constant 16 : index
      %swap3A_135 = tpu.vector_load %arg16[%swap3A_134] {strides = array<i32>} : memref<64xf32, #tpu.memory_space<vmem>>, vector<16xf32>,
      tpu.vector_store %arg16[%swap3A_134], %gather3A_130 {strides = array<i32>} : memref<64xf32, #tpu.memory_space<vmem>>, vector<16xf32>,
      %add3A_136 = arith.constant 32 : i32
      %add3A_137 = vector.broadcast %add3A_136 : i32 to vector<16xi32>
      %add3A_138 = arith.addi %add3A_137, %iota3A : vector<16xi32>
      %min3A_139 = arith.constant 55 : i32
      %min3A_140 = vector.broadcast %min3A_139 : i32 to vector<16xi32>
      %min3A_141 = arith.minsi %add3A_138, %min3A_140 : vector<16xi32>
      %mul3A_142 = arith.constant 56 : i32
      %mul3A_143 = arith.muli %add3A_26, %mul3A_142 : i32
      %add3A_144 = arith.constant 32 : i32
      %add3A_145 = arith.addi %mul3A_143, %add3A_144 : i32
      %get3A_146 = arith.index_cast %add3A_145 : i32 to index
      %get3A_147 = tpu.vector_load %arg10[%get3A_146] {strides = array<i32>} : memref<1584xi32, #tpu.memory_space<vmem>>, vector<16xi32>,
      %jit3A_148 = arith.constant 0 : i32
      %jit3A_149 = arith.constant 999 : i32
      %max3A_150 = vector.broadcast %jit3A_148 : i32 to vector<16xi32>
      %max3A_151 = arith.maxsi %max3A_150, %get3A_147 : vector<16xi32>
      %min3A_152 = vector.broadcast %jit3A_149 : i32 to vector<16xi32>
      %min3A_153 = arith.minsi %min3A_152, %max3A_151 : vector<16xi32>
      %gather3A_154 = tpu.vector_load_idx %arg11[%min3A_141, %min3A_153] : memref<56x1000xf32, #tpu.memory_space<vmem>>[vector<16xi32>, vector<16xi32>], vector<16xf32>,
      %mul3A_155 = arith.constant 0.0333333351 : f32
      %mul3A_156 = vector.broadcast %mul3A_155 : f32 to vector<16xf32>
      %mul3A_157 = arith.mulf %gather3A_154, %mul3A_156 : vector<16xf32>
      %abs3A_158 = math.absf %mul3A_157 : vector<16xf32>
      %mul3A_159 = arith.constant -2.000000e+00 : f32
      %mul3A_160 = vector.broadcast %mul3A_159 : f32 to vector<16xf32>
      %mul3A_161 = arith.mulf %abs3A_158, %mul3A_160 : vector<16xf32>
      %exp3A_162 = math.exp %mul3A_161 : vector<16xf32>
      %sub3A_163 = arith.constant 1.000000e+00 : f32
      %sub3A_164 = vector.broadcast %sub3A_163 : f32 to vector<16xf32>
      %sub3A_165 = arith.subf %sub3A_164, %exp3A_162 : vector<16xf32>
      %mul3A_166 = arith.constant 3.000000e+01 : f32
      %mul3A_167 = vector.broadcast %mul3A_166 : f32 to vector<16xf32>
      %mul3A_168 = arith.mulf %mul3A_167, %sub3A_165 : vector<16xf32>
      %add3A_169 = arith.constant 1.000000e+00 : f32
      %add3A_170 = vector.broadcast %add3A_169 : f32 to vector<16xf32>
      %add3A_171 = arith.addf %add3A_170, %exp3A_162 : vector<16xf32>
      %div3A_172 = arith.divf %mul3A_168, %add3A_171 : vector<16xf32>
      %lt3A_173 = arith.constant 0.000000e+00 : f32
      %lt3A_174 = vector.broadcast %lt3A_173 : f32 to vector<16xf32>
      %lt3A_175 = arith.cmpf olt, %mul3A_157, %lt3A_174 : vector<16xf32>
      %neg3A_176 = arith.constant 0.000000e+00 : f32
      %neg3A_177 = vector.broadcast %neg3A_176 : f32 to vector<16xf32>
      %neg3A_178 = arith.subf %neg3A_177, %div3A_172 : vector<16xf32>
      %select_n3A_179 = arith.select %lt3A_175, %neg3A_178, %div3A_172 : vector<16xi1>, vector<16xf32>
      %gather3A_180 = tpu.vector_load_idx %arg13[%min3A_141, %mul3A_5] : memref<56x16xf32, #tpu.memory_space<vmem>>[vector<16xi32>, vector<16xi32>], vector<16xf32>,
      %gather3A_181 = tpu.vector_load_idx %arg14[%min3A_141, %mul3A_5] : memref<56x16xf32, #tpu.memory_space<vmem>>[vector<16xi32>, vector<16xi32>], vector<16xf32>,
      %sub3A_182 = arith.subf %gather3A_180, %select_n3A_179 : vector<16xf32>
      %swap3A_183 = arith.constant 32 : index
      %swap3A_184 = tpu.vector_load %arg15[%swap3A_183] {strides = array<i32>} : memref<64xf32, #tpu.memory_space<vmem>>, vector<16xf32>,
      tpu.vector_store %arg15[%swap3A_183], %sub3A_182 {strides = array<i32>} : memref<64xf32, #tpu.memory_space<vmem>>, vector<16xf32>,
      %swap3A_185 = arith.constant 32 : index
      %swap3A_186 = tpu.vector_load %arg16[%swap3A_185] {strides = array<i32>} : memref<64xf32, #tpu.memory_space<vmem>>, vector<16xf32>,
      tpu.vector_store %arg16[%swap3A_185], %gather3A_181 {strides = array<i32>} : memref<64xf32, #tpu.memory_space<vmem>>, vector<16xf32>,
      %add3A_187 = arith.constant 48 : i32
      %add3A_188 = vector.broadcast %add3A_187 : i32 to vector<16xi32>
      %add3A_189 = arith.addi %add3A_188, %iota3A : vector<16xi32>
      %min3A_190 = arith.constant 55 : i32
      %min3A_191 = vector.broadcast %min3A_190 : i32 to vector<16xi32>
      %min3A_192 = arith.minsi %add3A_189, %min3A_191 : vector<16xi32>
      %mul3A_193 = arith.constant 56 : i32
      %mul3A_194 = arith.muli %add3A_26, %mul3A_193 : i32
      %add3A_195 = arith.constant 48 : i32
      %add3A_196 = arith.addi %mul3A_194, %add3A_195 : i32
      %get3A_197 = arith.index_cast %add3A_196 : i32 to index
      %get3A_198 = tpu.vector_load %arg10[%get3A_197] {strides = array<i32>} : memref<1584xi32, #tpu.memory_space<vmem>>, vector<16xi32>,
      %jit3A_199 = arith.constant 0 : i32
      %jit3A_200 = arith.constant 999 : i32
      %max3A_201 = vector.broadcast %jit3A_199 : i32 to vector<16xi32>
      %max3A_202 = arith.maxsi %max3A_201, %get3A_198 : vector<16xi32>
      %min3A_203 = vector.broadcast %jit3A_200 : i32 to vector<16xi32>
      %min3A_204 = arith.minsi %min3A_203, %max3A_202 : vector<16xi32>
      %gather3A_205 = tpu.vector_load_idx %arg11[%min3A_192, %min3A_204] : memref<56x1000xf32, #tpu.memory_space<vmem>>[vector<16xi32>, vector<16xi32>], vector<16xf32>,
      %mul3A_206 = arith.constant 0.0333333351 : f32
      %mul3A_207 = vector.broadcast %mul3A_206 : f32 to vector<16xf32>
      %mul3A_208 = arith.mulf %gather3A_205, %mul3A_207 : vector<16xf32>
      %abs3A_209 = math.absf %mul3A_208 : vector<16xf32>
      %mul3A_210 = arith.constant -2.000000e+00 : f32
      %mul3A_211 = vector.broadcast %mul3A_210 : f32 to vector<16xf32>
      %mul3A_212 = arith.mulf %abs3A_209, %mul3A_211 : vector<16xf32>
      %exp3A_213 = math.exp %mul3A_212 : vector<16xf32>
      %sub3A_214 = arith.constant 1.000000e+00 : f32
      %sub3A_215 = vector.broadcast %sub3A_214 : f32 to vector<16xf32>
      %sub3A_216 = arith.subf %sub3A_215, %exp3A_213 : vector<16xf32>
      %mul3A_217 = arith.constant 3.000000e+01 : f32
      %mul3A_218 = vector.broadcast %mul3A_217 : f32 to vector<16xf32>
      %mul3A_219 = arith.mulf %mul3A_218, %sub3A_216 : vector<16xf32>
      %add3A_220 = arith.constant 1.000000e+00 : f32
      %add3A_221 = vector.broadcast %add3A_220 : f32 to vector<16xf32>
      %add3A_222 = arith.addf %add3A_221, %exp3A_213 : vector<16xf32>
      %div3A_223 = arith.divf %mul3A_219, %add3A_222 : vector<16xf32>
      %lt3A_224 = arith.constant 0.000000e+00 : f32
      %lt3A_225 = vector.broadcast %lt3A_224 : f32 to vector<16xf32>
      %lt3A_226 = arith.cmpf olt, %mul3A_208, %lt3A_225 : vector<16xf32>
      %neg3A_227 = arith.constant 0.000000e+00 : f32
      %neg3A_228 = vector.broadcast %neg3A_227 : f32 to vector<16xf32>
      %neg3A_229 = arith.subf %neg3A_228, %div3A_223 : vector<16xf32>
      %select_n3A_230 = arith.select %lt3A_226, %neg3A_229, %div3A_223 : vector<16xi1>, vector<16xf32>
      %gather3A_231 = tpu.vector_load_idx %arg13[%min3A_192, %mul3A_5] : memref<56x16xf32, #tpu.memory_space<vmem>>[vector<16xi32>, vector<16xi32>], vector<16xf32>,
      %gather3A_232 = tpu.vector_load_idx %arg14[%min3A_192, %mul3A_5] : memref<56x16xf32, #tpu.memory_space<vmem>>[vector<16xi32>, vector<16xi32>], vector<16xf32>,
      %sub3A_233 = arith.subf %gather3A_231, %select_n3A_230 : vector<16xf32>
      %swap3A_234 = arith.constant 48 : index
      %swap3A_235 = tpu.vector_load %arg15[%swap3A_234] {strides = array<i32>} : memref<64xf32, #tpu.memory_space<vmem>>, vector<16xf32>,
      tpu.vector_store %arg15[%swap3A_234], %sub3A_233 {strides = array<i32>} : memref<64xf32, #tpu.memory_space<vmem>>, vector<16xf32>,
      %swap3A_236 = arith.constant 48 : index
      %swap3A_237 = tpu.vector_load %arg16[%swap3A_236] {strides = array<i32>} : memref<64xf32, #tpu.memory_space<vmem>>, vector<16xf32>,
      tpu.vector_store %arg16[%swap3A_236], %gather3A_232 {strides = array<i32>} : memref<64xf32, #tpu.memory_space<vmem>>, vector<16xf32>,
      "tpu.region"() ({
        %run_scoped3A = tpu.sem_alloc : memref<!tpu.dma_semaphore, #tpu.memory_space<semaphore_mem>>
        %dma_start3A_462 = arith.constant 0 : i32
        %dma_start3A_463 = tpu.memref_slice %arg15[%dma_start3A_462] : memref<64xf32, #tpu.memory_space<vmem>> -> memref<56xf32, #tpu.memory_space<vmem>>
        %dma_start3A_464 = arith.constant 0 : i32
        %dma_start3A_465 = tpu.memref_slice %arg5[%add3A, %add3A_26, %dma_start3A_464] : memref<32x28x56xf32, #tpu.memory_space<hbm>> -> memref<1x1x56xf32, #tpu.memory_space<hbm>>
        %dma_start3A_466 = tpu.memref_squeeze %dma_start3A_465 : memref<1x1x56xf32, #tpu.memory_space<hbm>> -> memref<56xf32, #tpu.memory_space<hbm>>
        %dma_start3A_467 = arith.constant 0 : i32
        %dma_start3A_468 = tpu.memref_slice %arg5[%add3A, %add3A_26, %dma_start3A_467] : memref<32x28x56xf32, #tpu.memory_space<hbm>> -> memref<1x1x56xf32, #tpu.memory_space<hbm>>
        %dma_start3A_469 = tpu.memref_squeeze %dma_start3A_468 : memref<1x1x56xf32, #tpu.memory_space<hbm>> -> memref<56xf32, #tpu.memory_space<hbm>>
        %dma_start3A_470 = arith.constant 0 : i32
        %dma_start3A_471 = tpu.memref_slice %arg15[%dma_start3A_470] : memref<64xf32, #tpu.memory_space<vmem>> -> memref<56xf32, #tpu.memory_space<vmem>>
        tpu.enqueue_dma source(%dma_start3A_471 : memref<56xf32, #tpu.memory_space<vmem>>) target(%dma_start3A_469 : memref<56xf32, #tpu.memory_space<hbm>>) target_semaphore(%run_scoped3A : memref<!tpu.dma_semaphore, #tpu.memory_space<semaphore_mem>>)
        %dma_wait3A_472 = arith.constant 0 : i32
        %dma_wait3A_473 = tpu.memref_slice %arg15[%dma_wait3A_472] : memref<64xf32, #tpu.memory_space<vmem>> -> memref<56xf32, #tpu.memory_space<vmem>>
        %dma_wait3A_474 = arith.constant 0 : i32
        %dma_wait3A_475 = tpu.memref_slice %arg5[%add3A, %add3A_26, %dma_wait3A_474] : memref<32x28x56xf32, #tpu.memory_space<hbm>> -> memref<1x1x56xf32, #tpu.memory_space<hbm>>
        %dma_wait3A_476 = tpu.memref_squeeze %dma_wait3A_475 : memref<1x1x56xf32, #tpu.memory_space<hbm>> -> memref<56xf32, #tpu.memory_space<hbm>>
        %dma_wait3A_477 = arith.constant 0 : i32
        %dma_wait3A_478 = tpu.memref_slice %arg5[%add3A, %add3A_26, %dma_wait3A_477] : memref<32x28x56xf32, #tpu.memory_space<hbm>> -> memref<1x1x56xf32, #tpu.memory_space<hbm>>
        %dma_wait3A_479 = tpu.memref_squeeze %dma_wait3A_478 : memref<1x1x56xf32, #tpu.memory_space<hbm>> -> memref<56xf32, #tpu.memory_space<hbm>>
        %dma_wait3A_480 = arith.constant 0 : i32
        %dma_wait3A_481 = tpu.memref_slice %arg15[%dma_wait3A_480] : memref<64xf32, #tpu.memory_space<vmem>> -> memref<56xf32, #tpu.memory_space<vmem>>
        tpu.wait_dma2 semaphore(%run_scoped3A : memref<!tpu.dma_semaphore, #tpu.memory_space<semaphore_mem>>) src(%dma_wait3A_481 : memref<56xf32, #tpu.memory_space<vmem>>) dst(%dma_wait3A_479 : memref<56xf32, #tpu.memory_space<hbm>>)
        tpu.yield
      }) : () -> ()
      "tpu.region"() ({
        %run_scoped3A = tpu.sem_alloc : memref<!tpu.dma_semaphore, #tpu.memory_space<semaphore_mem>>
        %dma_start3A_462 = arith.constant 0 : i32
        %dma_start3A_463 = tpu.memref_slice %arg16[%dma_start3A_462] : memref<64xf32, #tpu.memory_space<vmem>> -> memref<56xf32, #tpu.memory_space<vmem>>
        %dma_start3A_464 = arith.constant 0 : i32
        %dma_start3A_465 = tpu.memref_slice %arg6[%add3A, %add3A_26, %dma_start3A_464] : memref<32x28x56xf32, #tpu.memory_space<hbm>> -> memref<1x1x56xf32, #tpu.memory_space<hbm>>
        %dma_start3A_466 = tpu.memref_squeeze %dma_start3A_465 : memref<1x1x56xf32, #tpu.memory_space<hbm>> -> memref<56xf32, #tpu.memory_space<hbm>>
        %dma_start3A_467 = arith.constant 0 : i32
        %dma_start3A_468 = tpu.memref_slice %arg6[%add3A, %add3A_26, %dma_start3A_467] : memref<32x28x56xf32, #tpu.memory_space<hbm>> -> memref<1x1x56xf32, #tpu.memory_space<hbm>>
        %dma_start3A_469 = tpu.memref_squeeze %dma_start3A_468 : memref<1x1x56xf32, #tpu.memory_space<hbm>> -> memref<56xf32, #tpu.memory_space<hbm>>
        %dma_start3A_470 = arith.constant 0 : i32
        %dma_start3A_471 = tpu.memref_slice %arg16[%dma_start3A_470] : memref<64xf32, #tpu.memory_space<vmem>> -> memref<56xf32, #tpu.memory_space<vmem>>
        tpu.enqueue_dma source(%dma_start3A_471 : memref<56xf32, #tpu.memory_space<vmem>>) target(%dma_start3A_469 : memref<56xf32, #tpu.memory_space<hbm>>) target_semaphore(%run_scoped3A : memref<!tpu.dma_semaphore, #tpu.memory_space<semaphore_mem>>)
        %dma_wait3A_472 = arith.constant 0 : i32
        %dma_wait3A_473 = tpu.memref_slice %arg16[%dma_wait3A_472] : memref<64xf32, #tpu.memory_space<vmem>> -> memref<56xf32, #tpu.memory_space<vmem>>
        %dma_wait3A_474 = arith.constant 0 : i32
        %dma_wait3A_475 = tpu.memref_slice %arg6[%add3A, %add3A_26, %dma_wait3A_474] : memref<32x28x56xf32, #tpu.memory_space<hbm>> -> memref<1x1x56xf32, #tpu.memory_space<hbm>>
        %dma_wait3A_476 = tpu.memref_squeeze %dma_wait3A_475 : memref<1x1x56xf32, #tpu.memory_space<hbm>> -> memref<56xf32, #tpu.memory_space<hbm>>
        %dma_wait3A_477 = arith.constant 0 : i32
        %dma_wait3A_478 = tpu.memref_slice %arg6[%add3A, %add3A_26, %dma_wait3A_477] : memref<32x28x56xf32, #tpu.memory_space<hbm>> -> memref<1x1x56xf32, #tpu.memory_space<hbm>>
        %dma_wait3A_479 = tpu.memref_squeeze %dma_wait3A_478 : memref<1x1x56xf32, #tpu.memory_space<hbm>> -> memref<56xf32, #tpu.memory_space<hbm>>
        %dma_wait3A_480 = arith.constant 0 : i32
        %dma_wait3A_481 = tpu.memref_slice %arg16[%dma_wait3A_480] : memref<64xf32, #tpu.memory_space<vmem>> -> memref<56xf32, #tpu.memory_space<vmem>>
        tpu.wait_dma2 semaphore(%run_scoped3A : memref<!tpu.dma_semaphore, #tpu.memory_space<semaphore_mem>>) src(%dma_wait3A_481 : memref<56xf32, #tpu.memory_space<vmem>>) dst(%dma_wait3A_479 : memref<56xf32, #tpu.memory_space<hbm>>)
        tpu.yield
      }) : () -> ()
      %add3A_238 = arith.constant 1 : i32
      %add3A_239 = arith.addi %scan3A_24, %add3A_238 : i32
      %mul3A_240 = arith.constant 56 : i32
      %mul3A_241 = arith.muli %add3A_239, %mul3A_240 : i32
      %dma_wait3A_242 = tpu.memref_slice %arg9[%mul3A_241] : memref<1568xi32, #tpu.memory_space<vmem>> -> memref<56xi32, #tpu.memory_space<vmem>>
      %dma_wait3A_243 = arith.constant 0 : i32
      %dma_wait3A_244 = arith.constant 0 : i32
      %dma_wait3A_245 = tpu.memref_slice %arg4[%dma_wait3A_243, %dma_wait3A_244] : memref<100000x1000xf32, #tpu.memory_space<hbm>> -> memref<100000x1000xf32, #tpu.memory_space<hbm>>
      tpu.wait_indirect_dma semaphore(%arg18 : memref<!tpu.dma_semaphore, #tpu.memory_space<semaphore_mem>>) src(%dma_wait3A_245 : memref<100000x1000xf32, #tpu.memory_space<hbm>>) dst(%arg12 : memref<56x1000xf32, #tpu.memory_space<vmem>>)
      %lt3A_246 = arith.constant 27 : i32
      %lt3A_247 = arith.cmpi slt, %add3A_239, %lt3A_246 : i32
      %convert_element_type3A = arith.extui %lt3A_247 : i1 to i32
      %cond3A = arith.constant 0 : i32
      %cond3A_248 = arith.cmpi ne, %convert_element_type3A, %cond3A : i32
      scf.if %cond3A_248 {
        %add3A_462 = arith.constant 1 : i32
        %add3A_463 = arith.addi %add3A_239, %add3A_462 : i32
        %mul3A_464 = arith.constant 56 : i32
        %mul3A_465 = arith.muli %add3A_463, %mul3A_464 : i32
        %dma_start3A_466 = tpu.memref_slice %arg9[%mul3A_465] : memref<1568xi32, #tpu.memory_space<vmem>> -> memref<56xi32, #tpu.memory_space<vmem>>
        %dma_start3A_467 = arith.constant 0 : i32
        %dma_start3A_468 = arith.constant 0 : i32
        %dma_start3A_469 = tpu.memref_slice %arg4[%dma_start3A_467, %dma_start3A_468] : memref<100000x1000xf32, #tpu.memory_space<hbm>> -> memref<100000x1000xf32, #tpu.memory_space<hbm>>
        tpu.enqueue_indirect_dma source(%dma_start3A_469 : memref<100000x1000xf32, #tpu.memory_space<hbm>>) target(%arg11 : memref<56x1000xf32, #tpu.memory_space<vmem>>) offsets(%dma_start3A_466 : memref<56xi32, #tpu.memory_space<vmem>>) semaphore(%arg17 : memref<!tpu.dma_semaphore, #tpu.memory_space<semaphore_mem>>)
      } else {
      }
      %scan3A_249 = arith.constant 0 : i32
      %scan3A_250 = arith.constant 0 : i32
      %scan3A_251 = arith.constant 56 : i32
      %scan3A_252 = arith.addi %scan3A_250, %scan3A_251 : i32
      %scan3A_253 = arith.constant 1 : i32
      %scan3A_254 = scf.for %scan3A_462 = %scan3A_250 to %scan3A_252 step %scan3A_253 iter_args(%scan3A_463 = %scan3A_249) -> (i32)  : i32 {
        %broadcast_in_dim3A = arith.constant 0xFF800000 : f32
        %broadcast_in_dim3A_464 = vector.broadcast %broadcast_in_dim3A : f32 to vector<16xf32>
        %scan3A_465 = arith.constant 0 : i32
        %scan3A_466 = arith.constant 0 : i32
        %scan3A_467 = arith.constant 62 : i32
        %scan3A_468 = arith.addi %scan3A_466, %scan3A_467 : i32
        %scan3A_469 = arith.constant 1 : i32
        %scan3A_470:2 = scf.for %scan3A_562 = %scan3A_466 to %scan3A_468 step %scan3A_469 iter_args(%scan3A_563 = %scan3A_465, %scan3A_564 = %broadcast_in_dim3A_464) -> (i32, vector<16xf32>)  : i32 {
          %get3A_565 = arith.index_cast %scan3A_463 : i32 to index
          %get3A_566 = arith.index_cast %scan3A_563 : i32 to index
          %get3A_567 = tpu.vector_load %arg12[%get3A_565, %get3A_566] {strides = array<i32>} : memref<56x1000xf32, #tpu.memory_space<vmem>>, vector<16xf32>,
          %max3A_568 = arith.maximumf %scan3A_564, %get3A_567 : vector<16xf32>
          %add3A_569 = arith.constant 16 : i32
          %add3A_570 = arith.addi %scan3A_563, %add3A_569 : i32
          scf.yield %add3A_570, %max3A_568 : i32, vector<16xf32>
        }
        %scan3A_471 = arith.constant 62 : i32
        %get3A_472 = arith.index_cast %scan3A_463 : i32 to index
        %get3A_473 = arith.constant 984 : index
        %get3A_474 = tpu.vector_load %arg12[%get3A_472, %get3A_473] {strides = array<i32>} : memref<56x1000xf32, #tpu.memory_space<vmem>>, vector<16xf32>,
        %max3A_475 = arith.maximumf %scan3A_470#1, %get3A_474 : vector<16xf32>
        %reduce_max3A = arith.constant true
        %reduce_max3A_476 = vector.broadcast %reduce_max3A : i1 to vector<16xi1>
        %reduce_max3A_477 = tpu.scan <max>, %max3A_475 masked %reduce_max3A_476 : vector<16xf32>, vector<16xi1> -> vector<16xf32>
        %reduce_max3A_478 = vector.extract %reduce_max3A_477[15] : f32 from vector<16xf32>
        %broadcast_in_dim3A_479 = vector.broadcast %reduce_max3A_478 : f32 to vector<16xf32>
        %mul3A_480 = arith.constant 0.0333333351 : f32
        %mul3A_481 = vector.broadcast %mul3A_480 : f32 to vector<16xf32>
        %mul3A_482 = arith.mulf %broadcast_in_dim3A_479, %mul3A_481 : vector<16xf32>
        %abs3A_483 = math.absf %mul3A_482 : vector<16xf32>
        %mul3A_484 = arith.constant -2.000000e+00 : f32
        %mul3A_485 = vector.broadcast %mul3A_484 : f32 to vector<16xf32>
        %mul3A_486 = arith.mulf %abs3A_483, %mul3A_485 : vector<16xf32>
        %exp3A_487 = math.exp %mul3A_486 : vector<16xf32>
        %sub3A_488 = arith.constant 1.000000e+00 : f32
        %sub3A_489 = vector.broadcast %sub3A_488 : f32 to vector<16xf32>
        %sub3A_490 = arith.subf %sub3A_489, %exp3A_487 : vector<16xf32>
        %mul3A_491 = arith.constant 3.000000e+01 : f32
        %mul3A_492 = vector.broadcast %mul3A_491 : f32 to vector<16xf32>
        %mul3A_493 = arith.mulf %mul3A_492, %sub3A_490 : vector<16xf32>
        %add3A_494 = arith.constant 1.000000e+00 : f32
        %add3A_495 = vector.broadcast %add3A_494 : f32 to vector<16xf32>
        %add3A_496 = arith.addf %add3A_495, %exp3A_487 : vector<16xf32>
        %div3A_497 = arith.divf %mul3A_493, %add3A_496 : vector<16xf32>
        %lt3A_498 = arith.constant 0.000000e+00 : f32
        %lt3A_499 = vector.broadcast %lt3A_498 : f32 to vector<16xf32>
        %lt3A_500 = arith.cmpf olt, %mul3A_482, %lt3A_499 : vector<16xf32>
        %neg3A_501 = arith.constant 0.000000e+00 : f32
        %neg3A_502 = vector.broadcast %neg3A_501 : f32 to vector<16xf32>
        %neg3A_503 = arith.subf %neg3A_502, %div3A_497 : vector<16xf32>
        %select_n3A_504 = arith.select %lt3A_500, %neg3A_503, %div3A_497 : vector<16xi1>, vector<16xf32>
        %broadcast_in_dim3A_505 = arith.constant 0.000000e+00 : f32
        %broadcast_in_dim3A_506 = vector.broadcast %broadcast_in_dim3A_505 : f32 to vector<16xf32>
        %scan3A_507 = arith.constant 0 : i32
        %scan3A_508 = arith.constant 0 : i32
        %scan3A_509 = arith.constant 62 : i32
        %scan3A_510 = arith.addi %scan3A_508, %scan3A_509 : i32
        %scan3A_511 = arith.constant 1 : i32
        %scan3A_512:2 = scf.for %scan3A_562 = %scan3A_508 to %scan3A_510 step %scan3A_511 iter_args(%scan3A_563 = %scan3A_507, %scan3A_564 = %broadcast_in_dim3A_506) -> (i32, vector<16xf32>)  : i32 {
          %get3A_565 = arith.index_cast %scan3A_463 : i32 to index
          %get3A_566 = arith.index_cast %scan3A_563 : i32 to index
          %get3A_567 = tpu.vector_load %arg12[%get3A_565, %get3A_566] {strides = array<i32>} : memref<56x1000xf32, #tpu.memory_space<vmem>>, vector<16xf32>,
          %mul3A_568 = arith.constant 0.0333333351 : f32
          %mul3A_569 = vector.broadcast %mul3A_568 : f32 to vector<16xf32>
          %mul3A_570 = arith.mulf %get3A_567, %mul3A_569 : vector<16xf32>
          %abs3A_571 = math.absf %mul3A_570 : vector<16xf32>
          %mul3A_572 = arith.constant -2.000000e+00 : f32
          %mul3A_573 = vector.broadcast %mul3A_572 : f32 to vector<16xf32>
          %mul3A_574 = arith.mulf %abs3A_571, %mul3A_573 : vector<16xf32>
          %exp3A_575 = math.exp %mul3A_574 : vector<16xf32>
          %sub3A_576 = arith.constant 1.000000e+00 : f32
          %sub3A_577 = vector.broadcast %sub3A_576 : f32 to vector<16xf32>
          %sub3A_578 = arith.subf %sub3A_577, %exp3A_575 : vector<16xf32>
          %mul3A_579 = arith.constant 3.000000e+01 : f32
          %mul3A_580 = vector.broadcast %mul3A_579 : f32 to vector<16xf32>
          %mul3A_581 = arith.mulf %mul3A_580, %sub3A_578 : vector<16xf32>
          %add3A_582 = arith.constant 1.000000e+00 : f32
          %add3A_583 = vector.broadcast %add3A_582 : f32 to vector<16xf32>
          %add3A_584 = arith.addf %add3A_583, %exp3A_575 : vector<16xf32>
          %div3A_585 = arith.divf %mul3A_581, %add3A_584 : vector<16xf32>
          %lt3A_586 = arith.constant 0.000000e+00 : f32
          %lt3A_587 = vector.broadcast %lt3A_586 : f32 to vector<16xf32>
          %lt3A_588 = arith.cmpf olt, %mul3A_570, %lt3A_587 : vector<16xf32>
          %neg3A_589 = arith.constant 0.000000e+00 : f32
          %neg3A_590 = vector.broadcast %neg3A_589 : f32 to vector<16xf32>
          %neg3A_591 = arith.subf %neg3A_590, %div3A_585 : vector<16xf32>
          %select_n3A_592 = arith.select %lt3A_588, %neg3A_591, %div3A_585 : vector<16xi1>, vector<16xf32>
          %sub3A_593 = arith.subf %select_n3A_592, %select_n3A_504 : vector<16xf32>
          %exp3A_594 = math.exp %sub3A_593 : vector<16xf32>
          %add3A_595 = arith.constant 16 : i32
          %add3A_596 = arith.addi %scan3A_563, %add3A_595 : i32
          %add3A_597 = arith.addf %scan3A_564, %exp3A_594 : vector<16xf32>
          scf.yield %add3A_596, %add3A_597 : i32, vector<16xf32>
        }
        %scan3A_513 = arith.constant 62 : i32
        %get3A_514 = arith.index_cast %scan3A_463 : i32 to index
        %get3A_515 = arith.constant 984 : index
        %get3A_516 = tpu.vector_load %arg12[%get3A_514, %get3A_515] {strides = array<i32>} : memref<56x1000xf32, #tpu.memory_space<vmem>>, vector<16xf32>,
        %mul3A_517 = arith.constant 0.0333333351 : f32
        %mul3A_518 = vector.broadcast %mul3A_517 : f32 to vector<16xf32>
        %mul3A_519 = arith.mulf %get3A_516, %mul3A_518 : vector<16xf32>
        %abs3A_520 = math.absf %mul3A_519 : vector<16xf32>
        %mul3A_521 = arith.constant -2.000000e+00 : f32
        %mul3A_522 = vector.broadcast %mul3A_521 : f32 to vector<16xf32>
        %mul3A_523 = arith.mulf %abs3A_520, %mul3A_522 : vector<16xf32>
        %exp3A_524 = math.exp %mul3A_523 : vector<16xf32>
        %sub3A_525 = arith.constant 1.000000e+00 : f32
        %sub3A_526 = vector.broadcast %sub3A_525 : f32 to vector<16xf32>
        %sub3A_527 = arith.subf %sub3A_526, %exp3A_524 : vector<16xf32>
        %mul3A_528 = arith.constant 3.000000e+01 : f32
        %mul3A_529 = vector.broadcast %mul3A_528 : f32 to vector<16xf32>
        %mul3A_530 = arith.mulf %mul3A_529, %sub3A_527 : vector<16xf32>
        %add3A_531 = arith.constant 1.000000e+00 : f32
        %add3A_532 = vector.broadcast %add3A_531 : f32 to vector<16xf32>
        %add3A_533 = arith.addf %add3A_532, %exp3A_524 : vector<16xf32>
        %div3A_534 = arith.divf %mul3A_530, %add3A_533 : vector<16xf32>
        %lt3A_535 = arith.constant 0.000000e+00 : f32
        %lt3A_536 = vector.broadcast %lt3A_535 : f32 to vector<16xf32>
        %lt3A_537 = arith.cmpf olt, %mul3A_519, %lt3A_536 : vector<16xf32>
        %neg3A_538 = arith.constant 0.000000e+00 : f32
        %neg3A_539 = vector.broadcast %neg3A_538 : f32 to vector<16xf32>
        %neg3A_540 = arith.subf %neg3A_539, %div3A_534 : vector<16xf32>
        %select_n3A_541 = arith.select %lt3A_537, %neg3A_540, %div3A_534 : vector<16xi1>, vector<16xf32>
        %sub3A_542 = arith.subf %select_n3A_541, %select_n3A_504 : vector<16xf32>
        %exp3A_543 = math.exp %sub3A_542 : vector<16xf32>
        %ge3A = arith.constant 8 : i32
        %ge3A_544 = vector.broadcast %ge3A : i32 to vector<16xi32>
        %ge3A_545 = arith.cmpi sge, %iota3A, %ge3A_544 : vector<16xi32>
        %jit3A_546 = arith.constant 0.000000e+00 : f32
        %broadcast_in_dim3A_547 = vector.broadcast %jit3A_546 : f32 to vector<16xf32>
        %select_n3A_548 = arith.select %ge3A_545, %exp3A_543, %broadcast_in_dim3A_547 : vector<16xi1>, vector<16xf32>
        %add3A_549 = arith.addf %scan3A_512#1, %select_n3A_548 : vector<16xf32>
        %reduce_sum3A = arith.constant true
        %reduce_sum3A_550 = vector.broadcast %reduce_sum3A : i1 to vector<16xi1>
        %reduce_sum3A_551 = tpu.scan <sum>, %add3A_549 masked %reduce_sum3A_550 : vector<16xf32>, vector<16xi1> -> vector<16xf32>
        %reduce_sum3A_552 = vector.extract %reduce_sum3A_551[15] : f32 from vector<16xf32>
        %swap3A_553 = arith.index_cast %scan3A_463 : i32 to index
        %swap3A_554 = arith.constant 0 : index
        %swap3A_555 = tpu.vector_load %arg13[%swap3A_553, %swap3A_554] {strides = array<i32>} : memref<56x16xf32, #tpu.memory_space<vmem>>, vector<16xf32>,
        tpu.vector_store %arg13[%swap3A_553, %swap3A_554], %select_n3A_504 {strides = array<i32>} : memref<56x16xf32, #tpu.memory_space<vmem>>, vector<16xf32>,
        %broadcast_in_dim3A_556 = vector.broadcast %reduce_sum3A_552 : f32 to vector<16xf32>
        %swap3A_557 = arith.index_cast %scan3A_463 : i32 to index
        %swap3A_558 = arith.constant 0 : index
        %swap3A_559 = tpu.vector_load %arg14[%swap3A_557, %swap3A_558] {strides = array<i32>} : memref<56x16xf32, #tpu.memory_space<vmem>>, vector<16xf32>,
        tpu.vector_store %arg14[%swap3A_557, %swap3A_558], %broadcast_in_dim3A_556 {strides = array<i32>} : memref<56x16xf32, #tpu.memory_space<vmem>>, vector<16xf32>,
        %add3A_560 = arith.constant 1 : i32
        %add3A_561 = arith.addi %scan3A_463, %add3A_560 : i32
        scf.yield %add3A_561 : i32
      }
      %scan3A_255 = arith.constant 56 : i32
      %add3A_256 = arith.constant 0 : i32
      %add3A_257 = vector.broadcast %add3A_256 : i32 to vector<16xi32>
      %add3A_258 = arith.addi %add3A_257, %iota3A : vector<16xi32>
      %min3A_259 = arith.constant 55 : i32
      %min3A_260 = vector.broadcast %min3A_259 : i32 to vector<16xi32>
      %min3A_261 = arith.minsi %add3A_258, %min3A_260 : vector<16xi32>
      %mul3A_262 = arith.constant 56 : i32
      %mul3A_263 = arith.muli %add3A_239, %mul3A_262 : i32
      %add3A_264 = arith.constant 0 : i32
      %add3A_265 = arith.addi %mul3A_263, %add3A_264 : i32
      %get3A_266 = arith.index_cast %add3A_265 : i32 to index
      %get3A_267 = tpu.vector_load %arg10[%get3A_266] {strides = array<i32>} : memref<1584xi32, #tpu.memory_space<vmem>>, vector<16xi32>,
      %jit3A_268 = arith.constant 0 : i32
      %jit3A_269 = arith.constant 999 : i32
      %max3A_270 = vector.broadcast %jit3A_268 : i32 to vector<16xi32>
      %max3A_271 = arith.maxsi %max3A_270, %get3A_267 : vector<16xi32>
      %min3A_272 = vector.broadcast %jit3A_269 : i32 to vector<16xi32>
      %min3A_273 = arith.minsi %min3A_272, %max3A_271 : vector<16xi32>
      %gather3A_274 = tpu.vector_load_idx %arg12[%min3A_261, %min3A_273] : memref<56x1000xf32, #tpu.memory_space<vmem>>[vector<16xi32>, vector<16xi32>], vector<16xf32>,
      %mul3A_275 = arith.constant 0.0333333351 : f32
      %mul3A_276 = vector.broadcast %mul3A_275 : f32 to vector<16xf32>
      %mul3A_277 = arith.mulf %gather3A_274, %mul3A_276 : vector<16xf32>
      %abs3A_278 = math.absf %mul3A_277 : vector<16xf32>
      %mul3A_279 = arith.constant -2.000000e+00 : f32
      %mul3A_280 = vector.broadcast %mul3A_279 : f32 to vector<16xf32>
      %mul3A_281 = arith.mulf %abs3A_278, %mul3A_280 : vector<16xf32>
      %exp3A_282 = math.exp %mul3A_281 : vector<16xf32>
      %sub3A_283 = arith.constant 1.000000e+00 : f32
      %sub3A_284 = vector.broadcast %sub3A_283 : f32 to vector<16xf32>
      %sub3A_285 = arith.subf %sub3A_284, %exp3A_282 : vector<16xf32>
      %mul3A_286 = arith.constant 3.000000e+01 : f32
      %mul3A_287 = vector.broadcast %mul3A_286 : f32 to vector<16xf32>
      %mul3A_288 = arith.mulf %mul3A_287, %sub3A_285 : vector<16xf32>
      %add3A_289 = arith.constant 1.000000e+00 : f32
      %add3A_290 = vector.broadcast %add3A_289 : f32 to vector<16xf32>
      %add3A_291 = arith.addf %add3A_290, %exp3A_282 : vector<16xf32>
      %div3A_292 = arith.divf %mul3A_288, %add3A_291 : vector<16xf32>
      %lt3A_293 = arith.constant 0.000000e+00 : f32
      %lt3A_294 = vector.broadcast %lt3A_293 : f32 to vector<16xf32>
      %lt3A_295 = arith.cmpf olt, %mul3A_277, %lt3A_294 : vector<16xf32>
      %neg3A_296 = arith.constant 0.000000e+00 : f32
      %neg3A_297 = vector.broadcast %neg3A_296 : f32 to vector<16xf32>
      %neg3A_298 = arith.subf %neg3A_297, %div3A_292 : vector<16xf32>
      %select_n3A_299 = arith.select %lt3A_295, %neg3A_298, %div3A_292 : vector<16xi1>, vector<16xf32>
      %gather3A_300 = tpu.vector_load_idx %arg13[%min3A_261, %mul3A_5] : memref<56x16xf32, #tpu.memory_space<vmem>>[vector<16xi32>, vector<16xi32>], vector<16xf32>,
      %gather3A_301 = tpu.vector_load_idx %arg14[%min3A_261, %mul3A_5] : memref<56x16xf32, #tpu.memory_space<vmem>>[vector<16xi32>, vector<16xi32>], vector<16xf32>,
      %sub3A_302 = arith.subf %gather3A_300, %select_n3A_299 : vector<16xf32>
      %swap3A_303 = arith.constant 0 : index
      %swap3A_304 = tpu.vector_load %arg15[%swap3A_303] {strides = array<i32>} : memref<64xf32, #tpu.memory_space<vmem>>, vector<16xf32>,
      tpu.vector_store %arg15[%swap3A_303], %sub3A_302 {strides = array<i32>} : memref<64xf32, #tpu.memory_space<vmem>>, vector<16xf32>,
      %swap3A_305 = arith.constant 0 : index
      %swap3A_306 = tpu.vector_load %arg16[%swap3A_305] {strides = array<i32>} : memref<64xf32, #tpu.memory_space<vmem>>, vector<16xf32>,
      tpu.vector_store %arg16[%swap3A_305], %gather3A_301 {strides = array<i32>} : memref<64xf32, #tpu.memory_space<vmem>>, vector<16xf32>,
      %add3A_307 = arith.constant 16 : i32
      %add3A_308 = vector.broadcast %add3A_307 : i32 to vector<16xi32>
      %add3A_309 = arith.addi %add3A_308, %iota3A : vector<16xi32>
      %min3A_310 = arith.constant 55 : i32
      %min3A_311 = vector.broadcast %min3A_310 : i32 to vector<16xi32>
      %min3A_312 = arith.minsi %add3A_309, %min3A_311 : vector<16xi32>
      %mul3A_313 = arith.constant 56 : i32
      %mul3A_314 = arith.muli %add3A_239, %mul3A_313 : i32
      %add3A_315 = arith.constant 16 : i32
      %add3A_316 = arith.addi %mul3A_314, %add3A_315 : i32
      %get3A_317 = arith.index_cast %add3A_316 : i32 to index
      %get3A_318 = tpu.vector_load %arg10[%get3A_317] {strides = array<i32>} : memref<1584xi32, #tpu.memory_space<vmem>>, vector<16xi32>,
      %jit3A_319 = arith.constant 0 : i32
      %jit3A_320 = arith.constant 999 : i32
      %max3A_321 = vector.broadcast %jit3A_319 : i32 to vector<16xi32>
      %max3A_322 = arith.maxsi %max3A_321, %get3A_318 : vector<16xi32>
      %min3A_323 = vector.broadcast %jit3A_320 : i32 to vector<16xi32>
      %min3A_324 = arith.minsi %min3A_323, %max3A_322 : vector<16xi32>
      %gather3A_325 = tpu.vector_load_idx %arg12[%min3A_312, %min3A_324] : memref<56x1000xf32, #tpu.memory_space<vmem>>[vector<16xi32>, vector<16xi32>], vector<16xf32>,
      %mul3A_326 = arith.constant 0.0333333351 : f32
      %mul3A_327 = vector.broadcast %mul3A_326 : f32 to vector<16xf32>
      %mul3A_328 = arith.mulf %gather3A_325, %mul3A_327 : vector<16xf32>
      %abs3A_329 = math.absf %mul3A_328 : vector<16xf32>
      %mul3A_330 = arith.constant -2.000000e+00 : f32
      %mul3A_331 = vector.broadcast %mul3A_330 : f32 to vector<16xf32>
      %mul3A_332 = arith.mulf %abs3A_329, %mul3A_331 : vector<16xf32>
      %exp3A_333 = math.exp %mul3A_332 : vector<16xf32>
      %sub3A_334 = arith.constant 1.000000e+00 : f32
      %sub3A_335 = vector.broadcast %sub3A_334 : f32 to vector<16xf32>
      %sub3A_336 = arith.subf %sub3A_335, %exp3A_333 : vector<16xf32>
      %mul3A_337 = arith.constant 3.000000e+01 : f32
      %mul3A_338 = vector.broadcast %mul3A_337 : f32 to vector<16xf32>
      %mul3A_339 = arith.mulf %mul3A_338, %sub3A_336 : vector<16xf32>
      %add3A_340 = arith.constant 1.000000e+00 : f32
      %add3A_341 = vector.broadcast %add3A_340 : f32 to vector<16xf32>
      %add3A_342 = arith.addf %add3A_341, %exp3A_333 : vector<16xf32>
      %div3A_343 = arith.divf %mul3A_339, %add3A_342 : vector<16xf32>
      %lt3A_344 = arith.constant 0.000000e+00 : f32
      %lt3A_345 = vector.broadcast %lt3A_344 : f32 to vector<16xf32>
      %lt3A_346 = arith.cmpf olt, %mul3A_328, %lt3A_345 : vector<16xf32>
      %neg3A_347 = arith.constant 0.000000e+00 : f32
      %neg3A_348 = vector.broadcast %neg3A_347 : f32 to vector<16xf32>
      %neg3A_349 = arith.subf %neg3A_348, %div3A_343 : vector<16xf32>
      %select_n3A_350 = arith.select %lt3A_346, %neg3A_349, %div3A_343 : vector<16xi1>, vector<16xf32>
      %gather3A_351 = tpu.vector_load_idx %arg13[%min3A_312, %mul3A_5] : memref<56x16xf32, #tpu.memory_space<vmem>>[vector<16xi32>, vector<16xi32>], vector<16xf32>,
      %gather3A_352 = tpu.vector_load_idx %arg14[%min3A_312, %mul3A_5] : memref<56x16xf32, #tpu.memory_space<vmem>>[vector<16xi32>, vector<16xi32>], vector<16xf32>,
      %sub3A_353 = arith.subf %gather3A_351, %select_n3A_350 : vector<16xf32>
      %swap3A_354 = arith.constant 16 : index
      %swap3A_355 = tpu.vector_load %arg15[%swap3A_354] {strides = array<i32>} : memref<64xf32, #tpu.memory_space<vmem>>, vector<16xf32>,
      tpu.vector_store %arg15[%swap3A_354], %sub3A_353 {strides = array<i32>} : memref<64xf32, #tpu.memory_space<vmem>>, vector<16xf32>,
      %swap3A_356 = arith.constant 16 : index
      %swap3A_357 = tpu.vector_load %arg16[%swap3A_356] {strides = array<i32>} : memref<64xf32, #tpu.memory_space<vmem>>, vector<16xf32>,
      tpu.vector_store %arg16[%swap3A_356], %gather3A_352 {strides = array<i32>} : memref<64xf32, #tpu.memory_space<vmem>>, vector<16xf32>,
      %add3A_358 = arith.constant 32 : i32
      %add3A_359 = vector.broadcast %add3A_358 : i32 to vector<16xi32>
      %add3A_360 = arith.addi %add3A_359, %iota3A : vector<16xi32>
      %min3A_361 = arith.constant 55 : i32
      %min3A_362 = vector.broadcast %min3A_361 : i32 to vector<16xi32>
      %min3A_363 = arith.minsi %add3A_360, %min3A_362 : vector<16xi32>
      %mul3A_364 = arith.constant 56 : i32
      %mul3A_365 = arith.muli %add3A_239, %mul3A_364 : i32
      %add3A_366 = arith.constant 32 : i32
      %add3A_367 = arith.addi %mul3A_365, %add3A_366 : i32
      %get3A_368 = arith.index_cast %add3A_367 : i32 to index
      %get3A_369 = tpu.vector_load %arg10[%get3A_368] {strides = array<i32>} : memref<1584xi32, #tpu.memory_space<vmem>>, vector<16xi32>,
      %jit3A_370 = arith.constant 0 : i32
      %jit3A_371 = arith.constant 999 : i32
      %max3A_372 = vector.broadcast %jit3A_370 : i32 to vector<16xi32>
      %max3A_373 = arith.maxsi %max3A_372, %get3A_369 : vector<16xi32>
      %min3A_374 = vector.broadcast %jit3A_371 : i32 to vector<16xi32>
      %min3A_375 = arith.minsi %min3A_374, %max3A_373 : vector<16xi32>
      %gather3A_376 = tpu.vector_load_idx %arg12[%min3A_363, %min3A_375] : memref<56x1000xf32, #tpu.memory_space<vmem>>[vector<16xi32>, vector<16xi32>], vector<16xf32>,
      %mul3A_377 = arith.constant 0.0333333351 : f32
      %mul3A_378 = vector.broadcast %mul3A_377 : f32 to vector<16xf32>
      %mul3A_379 = arith.mulf %gather3A_376, %mul3A_378 : vector<16xf32>
      %abs3A_380 = math.absf %mul3A_379 : vector<16xf32>
      %mul3A_381 = arith.constant -2.000000e+00 : f32
      %mul3A_382 = vector.broadcast %mul3A_381 : f32 to vector<16xf32>
      %mul3A_383 = arith.mulf %abs3A_380, %mul3A_382 : vector<16xf32>
      %exp3A_384 = math.exp %mul3A_383 : vector<16xf32>
      %sub3A_385 = arith.constant 1.000000e+00 : f32
      %sub3A_386 = vector.broadcast %sub3A_385 : f32 to vector<16xf32>
      %sub3A_387 = arith.subf %sub3A_386, %exp3A_384 : vector<16xf32>
      %mul3A_388 = arith.constant 3.000000e+01 : f32
      %mul3A_389 = vector.broadcast %mul3A_388 : f32 to vector<16xf32>
      %mul3A_390 = arith.mulf %mul3A_389, %sub3A_387 : vector<16xf32>
      %add3A_391 = arith.constant 1.000000e+00 : f32
      %add3A_392 = vector.broadcast %add3A_391 : f32 to vector<16xf32>
      %add3A_393 = arith.addf %add3A_392, %exp3A_384 : vector<16xf32>
      %div3A_394 = arith.divf %mul3A_390, %add3A_393 : vector<16xf32>
      %lt3A_395 = arith.constant 0.000000e+00 : f32
      %lt3A_396 = vector.broadcast %lt3A_395 : f32 to vector<16xf32>
      %lt3A_397 = arith.cmpf olt, %mul3A_379, %lt3A_396 : vector<16xf32>
      %neg3A_398 = arith.constant 0.000000e+00 : f32
      %neg3A_399 = vector.broadcast %neg3A_398 : f32 to vector<16xf32>
      %neg3A_400 = arith.subf %neg3A_399, %div3A_394 : vector<16xf32>
      %select_n3A_401 = arith.select %lt3A_397, %neg3A_400, %div3A_394 : vector<16xi1>, vector<16xf32>
      %gather3A_402 = tpu.vector_load_idx %arg13[%min3A_363, %mul3A_5] : memref<56x16xf32, #tpu.memory_space<vmem>>[vector<16xi32>, vector<16xi32>], vector<16xf32>,
      %gather3A_403 = tpu.vector_load_idx %arg14[%min3A_363, %mul3A_5] : memref<56x16xf32, #tpu.memory_space<vmem>>[vector<16xi32>, vector<16xi32>], vector<16xf32>,
      %sub3A_404 = arith.subf %gather3A_402, %select_n3A_401 : vector<16xf32>
      %swap3A_405 = arith.constant 32 : index
      %swap3A_406 = tpu.vector_load %arg15[%swap3A_405] {strides = array<i32>} : memref<64xf32, #tpu.memory_space<vmem>>, vector<16xf32>,
      tpu.vector_store %arg15[%swap3A_405], %sub3A_404 {strides = array<i32>} : memref<64xf32, #tpu.memory_space<vmem>>, vector<16xf32>,
      %swap3A_407 = arith.constant 32 : index
      %swap3A_408 = tpu.vector_load %arg16[%swap3A_407] {strides = array<i32>} : memref<64xf32, #tpu.memory_space<vmem>>, vector<16xf32>,
      tpu.vector_store %arg16[%swap3A_407], %gather3A_403 {strides = array<i32>} : memref<64xf32, #tpu.memory_space<vmem>>, vector<16xf32>,
      %add3A_409 = arith.constant 48 : i32
      %add3A_410 = vector.broadcast %add3A_409 : i32 to vector<16xi32>
      %add3A_411 = arith.addi %add3A_410, %iota3A : vector<16xi32>
      %min3A_412 = arith.constant 55 : i32
      %min3A_413 = vector.broadcast %min3A_412 : i32 to vector<16xi32>
      %min3A_414 = arith.minsi %add3A_411, %min3A_413 : vector<16xi32>
      %mul3A_415 = arith.constant 56 : i32
      %mul3A_416 = arith.muli %add3A_239, %mul3A_415 : i32
      %add3A_417 = arith.constant 48 : i32
      %add3A_418 = arith.addi %mul3A_416, %add3A_417 : i32
      %get3A_419 = arith.index_cast %add3A_418 : i32 to index
      %get3A_420 = tpu.vector_load %arg10[%get3A_419] {strides = array<i32>} : memref<1584xi32, #tpu.memory_space<vmem>>, vector<16xi32>,
      %jit3A_421 = arith.constant 0 : i32
      %jit3A_422 = arith.constant 999 : i32
      %max3A_423 = vector.broadcast %jit3A_421 : i32 to vector<16xi32>
      %max3A_424 = arith.maxsi %max3A_423, %get3A_420 : vector<16xi32>
      %min3A_425 = vector.broadcast %jit3A_422 : i32 to vector<16xi32>
      %min3A_426 = arith.minsi %min3A_425, %max3A_424 : vector<16xi32>
      %gather3A_427 = tpu.vector_load_idx %arg12[%min3A_414, %min3A_426] : memref<56x1000xf32, #tpu.memory_space<vmem>>[vector<16xi32>, vector<16xi32>], vector<16xf32>,
      %mul3A_428 = arith.constant 0.0333333351 : f32
      %mul3A_429 = vector.broadcast %mul3A_428 : f32 to vector<16xf32>
      %mul3A_430 = arith.mulf %gather3A_427, %mul3A_429 : vector<16xf32>
      %abs3A_431 = math.absf %mul3A_430 : vector<16xf32>
      %mul3A_432 = arith.constant -2.000000e+00 : f32
      %mul3A_433 = vector.broadcast %mul3A_432 : f32 to vector<16xf32>
      %mul3A_434 = arith.mulf %abs3A_431, %mul3A_433 : vector<16xf32>
      %exp3A_435 = math.exp %mul3A_434 : vector<16xf32>
      %sub3A_436 = arith.constant 1.000000e+00 : f32
      %sub3A_437 = vector.broadcast %sub3A_436 : f32 to vector<16xf32>
      %sub3A_438 = arith.subf %sub3A_437, %exp3A_435 : vector<16xf32>
      %mul3A_439 = arith.constant 3.000000e+01 : f32
      %mul3A_440 = vector.broadcast %mul3A_439 : f32 to vector<16xf32>
      %mul3A_441 = arith.mulf %mul3A_440, %sub3A_438 : vector<16xf32>
      %add3A_442 = arith.constant 1.000000e+00 : f32
      %add3A_443 = vector.broadcast %add3A_442 : f32 to vector<16xf32>
      %add3A_444 = arith.addf %add3A_443, %exp3A_435 : vector<16xf32>
      %div3A_445 = arith.divf %mul3A_441, %add3A_444 : vector<16xf32>
      %lt3A_446 = arith.constant 0.000000e+00 : f32
      %lt3A_447 = vector.broadcast %lt3A_446 : f32 to vector<16xf32>
      %lt3A_448 = arith.cmpf olt, %mul3A_430, %lt3A_447 : vector<16xf32>
      %neg3A_449 = arith.constant 0.000000e+00 : f32
      %neg3A_450 = vector.broadcast %neg3A_449 : f32 to vector<16xf32>
      %neg3A_451 = arith.subf %neg3A_450, %div3A_445 : vector<16xf32>
      %select_n3A_452 = arith.select %lt3A_448, %neg3A_451, %div3A_445 : vector<16xi1>, vector<16xf32>
      %gather3A_453 = tpu.vector_load_idx %arg13[%min3A_414, %mul3A_5] : memref<56x16xf32, #tpu.memory_space<vmem>>[vector<16xi32>, vector<16xi32>], vector<16xf32>,
      %gather3A_454 = tpu.vector_load_idx %arg14[%min3A_414, %mul3A_5] : memref<56x16xf32, #tpu.memory_space<vmem>>[vector<16xi32>, vector<16xi32>], vector<16xf32>,
      %sub3A_455 = arith.subf %gather3A_453, %select_n3A_452 : vector<16xf32>
      %swap3A_456 = arith.constant 48 : index
      %swap3A_457 = tpu.vector_load %arg15[%swap3A_456] {strides = array<i32>} : memref<64xf32, #tpu.memory_space<vmem>>, vector<16xf32>,
      tpu.vector_store %arg15[%swap3A_456], %sub3A_455 {strides = array<i32>} : memref<64xf32, #tpu.memory_space<vmem>>, vector<16xf32>,
      %swap3A_458 = arith.constant 48 : index
      %swap3A_459 = tpu.vector_load %arg16[%swap3A_458] {strides = array<i32>} : memref<64xf32, #tpu.memory_space<vmem>>, vector<16xf32>,
      tpu.vector_store %arg16[%swap3A_458], %gather3A_454 {strides = array<i32>} : memref<64xf32, #tpu.memory_space<vmem>>, vector<16xf32>,
      "tpu.region"() ({
        %run_scoped3A = tpu.sem_alloc : memref<!tpu.dma_semaphore, #tpu.memory_space<semaphore_mem>>
        %dma_start3A_462 = arith.constant 0 : i32
        %dma_start3A_463 = tpu.memref_slice %arg15[%dma_start3A_462] : memref<64xf32, #tpu.memory_space<vmem>> -> memref<56xf32, #tpu.memory_space<vmem>>
        %dma_start3A_464 = arith.constant 0 : i32
        %dma_start3A_465 = tpu.memref_slice %arg5[%add3A, %add3A_239, %dma_start3A_464] : memref<32x28x56xf32, #tpu.memory_space<hbm>> -> memref<1x1x56xf32, #tpu.memory_space<hbm>>
        %dma_start3A_466 = tpu.memref_squeeze %dma_start3A_465 : memref<1x1x56xf32, #tpu.memory_space<hbm>> -> memref<56xf32, #tpu.memory_space<hbm>>
        %dma_start3A_467 = arith.constant 0 : i32
        %dma_start3A_468 = tpu.memref_slice %arg5[%add3A, %add3A_239, %dma_start3A_467] : memref<32x28x56xf32, #tpu.memory_space<hbm>> -> memref<1x1x56xf32, #tpu.memory_space<hbm>>
        %dma_start3A_469 = tpu.memref_squeeze %dma_start3A_468 : memref<1x1x56xf32, #tpu.memory_space<hbm>> -> memref<56xf32, #tpu.memory_space<hbm>>
        %dma_start3A_470 = arith.constant 0 : i32
        %dma_start3A_471 = tpu.memref_slice %arg15[%dma_start3A_470] : memref<64xf32, #tpu.memory_space<vmem>> -> memref<56xf32, #tpu.memory_space<vmem>>
        tpu.enqueue_dma source(%dma_start3A_471 : memref<56xf32, #tpu.memory_space<vmem>>) target(%dma_start3A_469 : memref<56xf32, #tpu.memory_space<hbm>>) target_semaphore(%run_scoped3A : memref<!tpu.dma_semaphore, #tpu.memory_space<semaphore_mem>>)
        %dma_wait3A_472 = arith.constant 0 : i32
        %dma_wait3A_473 = tpu.memref_slice %arg15[%dma_wait3A_472] : memref<64xf32, #tpu.memory_space<vmem>> -> memref<56xf32, #tpu.memory_space<vmem>>
        %dma_wait3A_474 = arith.constant 0 : i32
        %dma_wait3A_475 = tpu.memref_slice %arg5[%add3A, %add3A_239, %dma_wait3A_474] : memref<32x28x56xf32, #tpu.memory_space<hbm>> -> memref<1x1x56xf32, #tpu.memory_space<hbm>>
        %dma_wait3A_476 = tpu.memref_squeeze %dma_wait3A_475 : memref<1x1x56xf32, #tpu.memory_space<hbm>> -> memref<56xf32, #tpu.memory_space<hbm>>
        %dma_wait3A_477 = arith.constant 0 : i32
        %dma_wait3A_478 = tpu.memref_slice %arg5[%add3A, %add3A_239, %dma_wait3A_477] : memref<32x28x56xf32, #tpu.memory_space<hbm>> -> memref<1x1x56xf32, #tpu.memory_space<hbm>>
        %dma_wait3A_479 = tpu.memref_squeeze %dma_wait3A_478 : memref<1x1x56xf32, #tpu.memory_space<hbm>> -> memref<56xf32, #tpu.memory_space<hbm>>
        %dma_wait3A_480 = arith.constant 0 : i32
        %dma_wait3A_481 = tpu.memref_slice %arg15[%dma_wait3A_480] : memref<64xf32, #tpu.memory_space<vmem>> -> memref<56xf32, #tpu.memory_space<vmem>>
        tpu.wait_dma2 semaphore(%run_scoped3A : memref<!tpu.dma_semaphore, #tpu.memory_space<semaphore_mem>>) src(%dma_wait3A_481 : memref<56xf32, #tpu.memory_space<vmem>>) dst(%dma_wait3A_479 : memref<56xf32, #tpu.memory_space<hbm>>)
        tpu.yield
      }) : () -> ()
      "tpu.region"() ({
        %run_scoped3A = tpu.sem_alloc : memref<!tpu.dma_semaphore, #tpu.memory_space<semaphore_mem>>
        %dma_start3A_462 = arith.constant 0 : i32
        %dma_start3A_463 = tpu.memref_slice %arg16[%dma_start3A_462] : memref<64xf32, #tpu.memory_space<vmem>> -> memref<56xf32, #tpu.memory_space<vmem>>
        %dma_start3A_464 = arith.constant 0 : i32
        %dma_start3A_465 = tpu.memref_slice %arg6[%add3A, %add3A_239, %dma_start3A_464] : memref<32x28x56xf32, #tpu.memory_space<hbm>> -> memref<1x1x56xf32, #tpu.memory_space<hbm>>
        %dma_start3A_466 = tpu.memref_squeeze %dma_start3A_465 : memref<1x1x56xf32, #tpu.memory_space<hbm>> -> memref<56xf32, #tpu.memory_space<hbm>>
        %dma_start3A_467 = arith.constant 0 : i32
        %dma_start3A_468 = tpu.memref_slice %arg6[%add3A, %add3A_239, %dma_start3A_467] : memref<32x28x56xf32, #tpu.memory_space<hbm>> -> memref<1x1x56xf32, #tpu.memory_space<hbm>>
        %dma_start3A_469 = tpu.memref_squeeze %dma_start3A_468 : memref<1x1x56xf32, #tpu.memory_space<hbm>> -> memref<56xf32, #tpu.memory_space<hbm>>
        %dma_start3A_470 = arith.constant 0 : i32
        %dma_start3A_471 = tpu.memref_slice %arg16[%dma_start3A_470] : memref<64xf32, #tpu.memory_space<vmem>> -> memref<56xf32, #tpu.memory_space<vmem>>
        tpu.enqueue_dma source(%dma_start3A_471 : memref<56xf32, #tpu.memory_space<vmem>>) target(%dma_start3A_469 : memref<56xf32, #tpu.memory_space<hbm>>) target_semaphore(%run_scoped3A : memref<!tpu.dma_semaphore, #tpu.memory_space<semaphore_mem>>)
        %dma_wait3A_472 = arith.constant 0 : i32
        %dma_wait3A_473 = tpu.memref_slice %arg16[%dma_wait3A_472] : memref<64xf32, #tpu.memory_space<vmem>> -> memref<56xf32, #tpu.memory_space<vmem>>
        %dma_wait3A_474 = arith.constant 0 : i32
        %dma_wait3A_475 = tpu.memref_slice %arg6[%add3A, %add3A_239, %dma_wait3A_474] : memref<32x28x56xf32, #tpu.memory_space<hbm>> -> memref<1x1x56xf32, #tpu.memory_space<hbm>>
        %dma_wait3A_476 = tpu.memref_squeeze %dma_wait3A_475 : memref<1x1x56xf32, #tpu.memory_space<hbm>> -> memref<56xf32, #tpu.memory_space<hbm>>
        %dma_wait3A_477 = arith.constant 0 : i32
        %dma_wait3A_478 = tpu.memref_slice %arg6[%add3A, %add3A_239, %dma_wait3A_477] : memref<32x28x56xf32, #tpu.memory_space<hbm>> -> memref<1x1x56xf32, #tpu.memory_space<hbm>>
        %dma_wait3A_479 = tpu.memref_squeeze %dma_wait3A_478 : memref<1x1x56xf32, #tpu.memory_space<hbm>> -> memref<56xf32, #tpu.memory_space<hbm>>
        %dma_wait3A_480 = arith.constant 0 : i32
        %dma_wait3A_481 = tpu.memref_slice %arg16[%dma_wait3A_480] : memref<64xf32, #tpu.memory_space<vmem>> -> memref<56xf32, #tpu.memory_space<vmem>>
        tpu.wait_dma2 semaphore(%run_scoped3A : memref<!tpu.dma_semaphore, #tpu.memory_space<semaphore_mem>>) src(%dma_wait3A_481 : memref<56xf32, #tpu.memory_space<vmem>>) dst(%dma_wait3A_479 : memref<56xf32, #tpu.memory_space<hbm>>)
        tpu.yield
      }) : () -> ()
      %add3A_460 = arith.constant 2 : i32
      %add3A_461 = arith.addi %scan3A_24, %add3A_460 : i32
      scf.yield %add3A_461 : i32
    }
    %scan3A_22 = arith.constant 14 : i32
    return
  }
}

module attributes {stable_mosaic.version = 14 : i64} {
  func.func @_finish_body(%arg0: memref<32x1568xf32, #tpu.memory_space<vmem>>, %arg1: memref<32x1568xf32, #tpu.memory_space<vmem>>, %arg2: memref<1x1xf32, #tpu.memory_space<smem>>) attributes {dimension_semantics = [], scalar_prefetch = 0 : i64, scratch_operands = 0 : i64, tpu.core_type = #tpu.core_type<tc>} {
    %get3A = arith.constant 0 : index
    %get3A_0 = arith.constant 0 : index
    %get3A_1 = vector.load %arg0[%get3A, %get3A_0] : memref<32x1568xf32, #tpu.memory_space<vmem>>, vector<32x1568xf32>
    %get3A_2 = arith.constant 0 : index
    %get3A_3 = arith.constant 0 : index
    %get3A_4 = vector.load %arg1[%get3A_2, %get3A_3] : memref<32x1568xf32, #tpu.memory_space<vmem>>, vector<32x1568xf32>
    %log3A = math.log %get3A_4 : vector<32x1568xf32>
    %add3A = arith.addf %get3A_1, %log3A : vector<32x1568xf32>
    %reduce_sum3A = vector.shape_cast %add3A : vector<32x1568xf32> to vector<1x32x1568xf32>
    %reduce_sum3A_5 = arith.constant dense<0.000000e+00> : vector<1xf32>
    %reduce_sum3A_6 = vector.multi_reduction <add>, %reduce_sum3A, %reduce_sum3A_5 [1, 2] : vector<1x32x1568xf32> to vector<1xf32>
    %reduce_sum3A_7 = vector.shape_cast %reduce_sum3A_6 : vector<1xf32> to vector<1x1x1xf32>
    %reduce_sum3A_8 = vector.extract %reduce_sum3A_7[0, 0, 0] : f32 from vector<1x1x1xf32>
    %add3A_9 = arith.constant 7073.5415 : f32
    %add3A_10 = arith.addf %reduce_sum3A_8, %add3A_9 : f32
    %div3A = arith.constant 5.120000e+04 : f32
    %div3A_11 = arith.divf %add3A_10, %div3A : f32
    %swap3A = arith.constant 0 : index
    %swap3A_12 = arith.constant 0 : index
    %swap3A_13 = memref.load %arg2[%swap3A, %swap3A_12] : memref<1x1xf32, #tpu.memory_space<smem>>
    memref.store %div3A_11, %arg2[%swap3A, %swap3A_12] : memref<1x1xf32, #tpu.memory_space<smem>>
    return
  }
}

</mosaic_0001>

<sc_bundles>
// kernel: kernel.4.cloned.1.call-start
scs
__scs_entry_jumppad:
0x0: {  	(pc) =	sbr.rel $0x88, $3  }
0x1: {  	(tag) =	ssettag $0x0;
	lr =	simm.s32 $0x1  }
0x2: {  	[smem:$0x3F9E] =	sst lr;
	_ =	strace $0xD0000000  }
0x3: {  	_ = 	snop  }
0x4: {  	_ = 	snop  }
0x5: {  	_ = 	snop  }
0x6: {  	_ = 	snop  }
0x7: {  	_ = 	snop  }
__scs_overlays_trampoline_lowered:
0x8: {  	[smem:$0x3FAD] =	sst s0  }
0x9: {  	[smem:$0x3FAE] =	sst s1  }
0xa: {  	[smem:$0x3FAF] =	sst s2  }
0xb: {  	[smem:$0x3FB0] =	sst s3  }
0xc: {  	[smem:$0x3FB1] =	sst s4  }
0xd: {  	[smem:$0x3FB2] =	sst s5  }
0xe: {  	[smem:$0x3FB3] =	sst s6  }
0xf: {  	[smem:$0x3FB4] =	sst s7  }
0x10: {  	[smem:$0x3FB5] =	sst s8  }
0x11: {  	[smem:$0x3FB6] =	sst s9;
	s0 =	simm.s32 @!p0 $0x0  }
0x12: {  	s1 =	sld [smem:$0x3F9C];
	s0 =	simm.s32 @p0 $0x1  }
0x13: {  	[smem:$0x3FB7] =	sst s0;
	s0 =	simm.s32 @!p1 $0x0  }
0x14: {  	s2 =	sld [smem:$0x3F9B];
	s0 =	simm.s32 @p1 $0x1  }
0x15: {  	[smem:$0x3FB8] =	sst s0;
	s0 =	simm.s32 @!p2 $0x0  }
0x16: {  	s3 =	sld [smem:$0x3FDB];
	s0 =	simm.s32 @p2 $0x1  }
0x17: {  	s4 =	simm.s32 $0x1BF5;
	[smem:$0x3FBA] =	sst s0  }
0x18: {  	s0 =	sld [smem:$0x3F9D];
	_ =	swait.ge [sflag:s4], $0x0  }
0x19: {  	s7 =	sld [smem:$0x3F9E]  }
0x1a: {  	s8 =	sadd.s32 $0xFFFFE003, lr  }
0x1b: {  	s9 =	sadd.s32 $0xFFFFFEF7, lr;
	s5 =	simm.s32 $0xFFFFFFFF;
	p2 =	slt.u32 s8, $0xFFFFF086  }
0x1c: {  	p1 =	slt.u32 s9, $0xF7A;
	s5 =	simm.s32 @!p2 $0x0  }
0x1d: {  	s5 =	simm.s32 @p1 $0x1;
	p0 =	seq.s32 s7, s2  }
0x1e: {  	s7 =	smul.u32 @!p0 $0xF7A, s2;
	p2 =	seq.s32 @!p0 s5, $0x0  }
0x1f: {  	s9 =	smul.u32 $0xF7A, s1;
	s8 =	simm.s32 @!p0 $0x1BF5;
	p2 =	por !p2, p0  }
0x20: {  	[sflag:s8] =	ssyncset.s32 @!p0 $0xFFFFF086;
	s6 =	sadd.s32 @!p0 s3, s7;
	s7 =	simm.s32 @!p0 $0x108  }
0x21: {  	s3 =	sadd.s32 s3, s9;
	s6 =	sadd.s32 @!p0 $0x88, s6;
	s7 =	simm.s32 @p2 $0x1082  }
0x22: {  	[simem:s7], [sflag:s8] =	dma.local @!p0 [hbm:s6], $0xF7A  }
0x23: {  	s9 =	sor.u32 $0xD0000000, s2;
	s6 =	simm.s32 $0x108;
	_ =	swait.ge @!p0 [sflag:s8], $0x0  }
0x24: {  	s3 =	sadd.s32 $0x88, s3;
	s6 =	simm.s32 @!p1 $0x1082;
	[sflag:s4] =	ssyncset.s32 $0xFFFFF086  }
0x25: {  	[simem:s6], [sflag:s4] =	dma.local [hbm:s3], $0xF7A  }
0x26: {  	[smem:$0x3F9E] =	sst s1;
	(tag) =	ssettag s2;
	_ =	strace s9  }
0x27: {  	s1 =	sld [smem:$0x3FAE]  }
0x28: {  	s2 =	sld [smem:$0x3FAF]  }
0x29: {  	s4 =	sld [smem:$0x3FB1]  }
0x2a: {  	p0 =	seq.s32 s5, $0x0;
	s5 =	sld [smem:$0x3FB2]  }
0x2b: {  	s6 =	sld [smem:$0x3FB3]  }
0x2c: {  	s7 =	sld [smem:$0x3FB4]  }
0x2d: {  	s3 =	simm.s32 $0x108;
	s8 =	sld [smem:$0x3FB5]  }
0x2e: {  	s3 =	simm.s32 @!p0 $0x1082;
	s9 =	sld [smem:$0x3FB6]  }
0x2f: {  	lr =	sadd.s32 s0, s3;
	s0 =	sld [smem:$0x3FAD]  }
0x30: {  	s3 =	sld [smem:$0x3FB0]  }
0x31: {  	[smem:$0x3FB9] =	sst s10  }
0x32: {  	s10 =	sld [smem:$0x3FB7];
	_ =	sdelay $0x3  }
0x33: {  	p0 =	seq.s32 s10, $0x1;
	s10 =	sld [smem:$0x3FB9];
	_ =	sdelay $0x3  }
0x34: {  	[smem:$0x3FB9] =	sst s10  }
0x35: {  	s10 =	sld [smem:$0x3FB8];
	_ =	sdelay $0x3  }
0x36: {  	p1 =	seq.s32 s10, $0x1;
	s10 =	sld [smem:$0x3FB9];
	_ =	sdelay $0x3  }
0x37: {  	[smem:$0x3FB9] =	sst s10  }
0x38: {  	s10 =	sld [smem:$0x3FBA]  }
0x39: {  	_ = 	snop;
	(pc) =	sbr.ind lr, $3  }
0x3a: {  	_ = 	snop  }
0x3b: {  	_ = 	snop  }
0x3c: {  	p2 =	seq.s32 s10, $0x1;
	s10 =	sld [smem:$0x3FB9]  }
0x3d: {  	_ =	shalt  }
0x3e: {  	_ =	shalt  }
0x3f: {  	_ =	shalt  }
0x40: {  	_ =	shalt  }
0x41: {  	_ =	shalt  }
0x42: {  	_ =	shalt  }
0x43: {  	_ =	shalt  }
0x44: {  	_ =	shalt  }
0x45: {  	_ =	shalt  }
0x46: {  	_ =	shalt  }
0x47: {  	_ =	shalt  }
0x48: {  	_ =	shalt  }
0x49: {  	_ =	shalt  }
0x4a: {  	_ =	shalt  }
0x4b: {  	_ =	shalt  }
0x4c: {  	_ =	shalt  }
0x4d: {  	_ =	shalt  }
0x4e: {  	_ =	shalt  }
0x4f: {  	_ =	shalt  }
0x50: {  	_ =	shalt  }
0x51: {  	_ =	shalt  }
0x52: {  	_ =	shalt  }
0x53: {  	_ =	shalt  }
0x54: {  	_ =	shalt  }
0x55: {  	_ =	shalt  }
0x56: {  	_ =	shalt  }
0x57: {  	_ =	shalt  }
0x58: {  	_ =	shalt  }
0x59: {  	_ =	shalt  }
0x5a: {  	_ =	shalt  }
0x5b: {  	_ =	shalt  }
0x5c: {  	_ =	shalt  }
0x5d: {  	_ =	shalt  }
0x5e: {  	_ =	shalt  }
0x5f: {  	_ =	shalt  }
0x60: {  	_ =	shalt  }
0x61: {  	_ =	shalt  }
0x62: {  	_ =	shalt  }
0x63: {  	_ =	shalt  }
0x64: {  	_ =	shalt  }
0x65: {  	_ =	shalt  }
0x66: {  	_ =	shalt  }
0x67: {  	_ =	shalt  }
0x68: {  	_ =	shalt  }
0x69: {  	_ =	shalt  }
0x6a: {  	_ =	shalt  }
0x6b: {  	_ =	shalt  }
0x6c: {  	_ =	shalt  }
0x6d: {  	_ =	shalt  }
0x6e: {  	_ =	shalt  }
0x6f: {  	_ =	shalt  }
0x70: {  	_ =	shalt  }
0x71: {  	_ =	shalt  }
0x72: {  	_ =	shalt  }
0x73: {  	_ =	shalt  }
0x74: {  	_ =	shalt  }
0x75: {  	_ =	shalt  }
0x76: {  	_ =	shalt  }
0x77: {  	_ =	shalt  }
0x78: {  	_ =	shalt  }
0x79: {  	_ =	shalt  }
0x7a: {  	_ =	shalt  }
0x7b: {  	_ =	shalt  }
0x7c: {  	_ =	shalt  }
0x7d: {  	_ =	shalt  }
0x7e: {  	_ =	shalt  }
0x7f: {  	_ =	shalt  }
0x80: {  	_ =	shalt  }
0x81: {  	_ =	shalt  }
0x82: {  	_ =	shalt  }
0x83: {  	_ =	shalt  }
0x84: {  	_ =	shalt  }
0x85: {  	_ =	shalt  }
0x86: {  	_ =	shalt  }
0x87: {  	_ =	shalt  }
.Lfunc_end0:
.L_simem_size_0:
called_computation_lowered:
.L_overlay_start_0:
0x88: {  	s2 =	sld [smem:$0x3FD9]  }
0x89: {  	s3 =	sld [smem:$0x3FFE];
	_ =	sdelay $0x1  }
0x8a: {  	s1 =	srdreg.scid  }
0x8b: {  	s0 =	sand.u32 $0x1, s1  }
0x8c: {  	s16 =	sshll.u32 s0, $0xA;
	s2 =	sadd.s32 s3, s2  }
0x8d: {  	s2 =	sadd.s32 s2, s16  }
0x8e: {  	[smem:$0x3FC5] =	sst s2  }
0x8f: {  	_ = 	snop  }
0x90: {  	(tm) =	ssettm $0x1  }
0x91: {  	s17 =	sld [smem:$0x3FFB];
	_ =	sdelay $0x3  }
0x92: {  	_ =	strace s17  }
0x93: {  	s2 =	sld [smem:$0x3FFC];
	_ =	sdelay $0x3  }
0x94: {  	_ =	strace s2  }
0x95: {  	s2 =	sld [smem:$0x3FFD];
	_ =	sdelay $0x3  }
0x96: {  	_ =	strace s2  }
0x97: {  	_ =	strace $0x8FFFFFFF  }
0x98: {  	s18 =	sld [smem:$0x3FDB];
	_ =	sdelay $0x1  }
0x99: {  	s19 =	simm.s32 $_scs_section_size  }
0x9a: {  	s4 =	simm.s32 $_size__tile_overlayer_lowered;
	s5 =	simm.s32 $_tile_overlayer_lowered  }
0x9b: {  	s22 =	simm.s32 $0x1BFF;
	s21 =	sshll.u32 s5, $0x1;
	s2 =	sadd.s32 s19, s18  }
0x9c: {  	s6 =	simm.s32 $0x0;
	s20 =	sshll.u32 s4, $0x1;
	s4 =	sadd.s32 s21, s2  }
0x9d: {  	[timem:s6], [sflag:s22] =	dma.local [hbm:s4], s20  }
0x9e: {  	_ =	swait.ge [sflag:s22], s20  }
0x9f: {  	s3 =	ssub.s32 $0x0, s20;
	[sflag:s22] =	ssyncset.done $0x0  }
0xa0: {  	[sflag:s22] =	ssyncadd.s32 s3;
	_ =	sdelay $0x1  }
0xa1: {  	s23 =	simm.s32 $0x1B8B  }
0xa2: {  	_ =	swait.ge [sflag:s23], $0x1  }
0xa3: {  	[sflag:s23] =	ssyncset.done $0x0  }
0xa4: {  	s25 =	simm.s32 $0x1B8E;
	s24 =	sld [smem:$0x3FFE];
	[sflag:s23] =	ssyncadd.s32 $0xFFFFFFFF  }
0xa5: {  	s26 =	simm.s32 $execute0_lowered;
	[smem:$0x3FD2] =	sst s25  }
0xa6: {  	s4 =	sshll.u32 s26, $0x1;
	_ =	strace $0x80000046;
	[dreg:$0x1] =	wrdreg $0xFFFFFFFF  }
0xa7: {  	s28 =	simm.s32 $_size_execute0_lowered;
	s2 =	sadd.s32 s2, s4;
	[dreg:$0x0] =	wrdreg $0x0  }
0xa8: {  	s4 =	sshll.u32 s28, $0x1;
	[dreg:$0x2] =	wrdreg s2  }
0xa9: {  	[dreg:$0x3] =	wrdreg s4  }
0xaa: {  	[dreg:$0x4] =	wrdreg $0xC0  }
0xab: {  	_ =	task [dreg:s6], $0x5FFFF  }
0xac: {  	[dreg:$0x1] =	wrdreg $0xFFFFFFFF  }
0xad: {  	[dreg:$0x0] =	wrdreg $0x60  }
0xae: {  	[dreg:$0x2] =	wrdreg s24  }
0xaf: {  	[dreg:$0x3] =	wrdreg $0x9  }
0xb0: {  	_ =	task.clear_ibuf [dreg:s6], $0x4FFFF;
	_ =	strace $0x90000046  }
0xb1: {  	s29 =	simm.s32 $0x9;
	_ =	strace $0x80000048  }
0xb2: {  	_ =	swait.ge [sflag:s29], $0x1  }
0xb3: {  	[sflag:s29] =	ssyncadd.s32 $0xFFFFFFFF  }
0xb4: {  	_ =	strace $0x90000048  }
0xb5: {  	_ =	sfence  }
0xb6: {  	s30 =	sld [smem:$0x0];
	_ =	sdelay $0x2  }
0xb7: {  	s31 =	sshll.u32 s1, $0xD;
	s1 =	sshrl.u32 s1, $0x2  }
0xb8: {  	s3 =	sand.u32 $0x4000, s31;
	s1 =	sadd.s32 s1, s30  }
0xb9: {  	s0 =	sor.u32 s3, s0;
	s1 =	sshll.u32 s1, $0x11  }
0xba: {  	s0 =	sor.u32 s1, s0  }
0xbb: {  	s0 =	sadd.s32 $0x8F2B, s0  }
0xbc: {  	[sflag:s0] =	ssyncadd.remote.s32 $0x1  }
0xbd: {  	_ =	sfence.sel $0xFFFF  }
0xbe: {  	[dreg:$0x0] =	wrdreg $0xFFFFFFFF;
	(pc) =	sbr.abs _section_cstart, $3  }
0xbf: {  	[dreg:$0x1] =	wrdreg $0xFFFFFFFF  }
0xc0: {  	_ =	task.clear_ibuf [dreg:s6], $0x2FFFF;
	_ =	strace $0x9FFFFFFF  }
0xc1: {  	(tm) =	ssettm $0x7FFFFFFF  }
tec
execute0_lowered:
.L_overlay_start_1:
0x0: {  	(tag) =	ssettag $0x1  }
0x1: {  	v0 =	vimm.s32 $0xECA86420  }
0x2: {  	vm0 =	vcmask $0xB08;
	vm1 =	vcmask $0x1310;
	vm2 =	vcmask $0x1B18  }
0x3: {  	vm3 =	vcmask $0x300;
	vm4 =	vcmask $0x2320;
	vm5 =	vcmask $0x2B28  }
0x4: {  	s0 =	srdreg.scid;
	vm6 =	vcmask $0x3330;
	vm7 =	vcmask $0x3B38;
	vm9 =	vcmask $0x704  }
0x5: {  	s2 =	stileid.u32;
	s1 =	rddreg [dreg:$0x0];
	vm10 =	vcmask $0xF0C;
	vm11 =	vcmask $0x1714;
	vm12 =	vcmask $0x1F1C  }
0x6: {  	s10 =	simm.s32 $0x0;
	vm13 =	vcmask $0x2724;
	vm14 =	vcmask $0x2F2C;
	v3 =	vimm.s32 $0xD6D8;
	s0 =	sand.u32 $0x1, s0;
	s3 =	sshll.u32 s2, $0x1  }
0x7: {  	vm8 =	vmmov $0xff;
	v4 =	vimm.s32 $0x370;
	vm15 =	vcmask $0x3734;
	[smem:$0x7FF] =	sst s10;
	s5 =	sadd.s32 $0xC35C00, s1;
	s6 =	sadd.s32 $0x4400, s1  }
0x8: {  	v1 =	vunpack.c.l.s4.s8 v0;
	v0 =	vlaneseq.u32;
	s7 =	sadd.s32 $0x5E00, s1;
	v5 =	vsel vm3, $0xBB80, v3;
	s3 =	sor.u32 s0, s3;
	_ =	strace $0x80000047  }
0x9: {  	v4 =	vsel vm3, $0x300, v4;
	v2 =	vmul.u32 $0x2, v0;
	s0 =	ssub.s32 $0x2, s0;
	v3 =	vmul.u32 $0x3E8, v0;
	[dreg:$0xb] =	wrdreg s5;
	s4 =	smul.u32 $0xE0, s3  }
0xa: {  	v5 =	vsel vm9, $0xBF68, v5;
	v6 =	vsel vm9, $0x310, v4;
	v4 =	vmul.u32 $0x10, v0;
	[dreg:$0xc] =	wrdreg s6;
	s29 =	sshrl.u32 s0, $0x1;
	s3 =	smul.u32 $0x620, s3  }
0xb: {  	[dreg:$0xd] =	wrdreg s7;
	v1 =	vunpack.c.0.s8.s32 v1;
	v7 =	vsel vm0, $0xC350, v5;
	v6 =	vsel vm0, $0x320, v6;
	s0 =	ssub.s32 s0, s29  }
0xc: {  	v5 =	vadd.s32 $0x3E80, v3;
	v7 =	vsel vm10, $0xC738, v7;
	v8 =	vsel vm10, $0x330, v6;
	s4 =	sadd.s32 s4, s1;
	s0 =	smax.u32 s0, $0x1;
	[dreg:$0x10] =	wrdreg s3  }
0xd: {  	v6 =	vor.u32 $0x100, v4;
	v9 =	vsel vm1, $0xCB20, v7;
	v8 =	vsel vm1, $0x340, v8;
	s30 =	sadd.s32 $0x2800, s4;
	[dreg:$0x11] =	wrdreg s0  }
0xe: {  	s11 =	simm.s32 $0x700;
	v7 =	vadd.s32 $0x7D00, v3;
	s31 =	sadd.s32 $0xC00, s4;
	v9 =	vsel vm11, $0xCF08, v9;
	v10 =	vsel vm11, $0x350, v8;
	[dreg:$0xe] =	wrdreg s30  }
0xf: {  	s1 =	simm.s32 $0x0;
	s4 =	simm.s32 $0x3;
	v8 =	vor.u32 $0x200, v4;
	[dreg:$0xf] =	wrdreg s31;
	v9 =	vsel vm2, $0xD2F0, v9;
	v10 =	vsel vm2, $0x360, v10  }
.LBB2_1:
0x10: {  	v11 =	vor.u32 s10, v0  }
0x11: {  	v12 =	vmulhi.u32 $0x5397829D, v11;
	_ =	sdelay $0x1  }
0x12: {  	v12 =	vshrl.u32 v12, $0x4  }
0x13: {  	[dreg:$0x12] =	wrdreg s1;
	v13 =	vmul.u32 $0xFFFFFFCF, v12  }
0x14: {  	s0 =	rddreg [dreg:$0xe]  }
0x15: {  	[tilespmem:s10], [sflag:$0x3] =	stream.linear.gather [hbm4b:s0+s10], $0x700, $0x38;
	v12 =	vmul.u32 $0x38, v12;
	v11 =	vadd.s32 v11, v13;
	[tilespmem:$0x1D750] =	vst v63  }
0x16: {  	_ =	swait.ge [sflag:s4], $0x700;
	v13 =	vadd.s32 $0x1, v11;
	v14 =	vand.u32 $0x38, v11  }
0x17: {  	[sflag:s4] =	ssyncset.done $0x0;
	v11 =	vand.u32 $0x7, v11;
	v15 =	vand.u32 $0x78, v13;
	v14 =	vadd.s32 v14, v12  }
0x18: {  	s19 =	rddreg [dreg:$0xf];
	[sflag:s4] =	ssyncadd.s32 $0xFFFFF900;
	v13 =	vand.u32 $0x7, v13;
	v12 =	vadd.s32 v12, v15;
	v14 =	vor.u32 v11, v14  }
0x19: {  	[tilespmem:s11], [sflag:$0x3] =	stream.linear.gather [hbm4b:s19+s10], $0x700, $0x38;
	v11 =	vor.u32 v13, v12;
	[tilespmem:$0x1D750] =	vst v63  }
0x1a: {  	_ =	swait.ge [sflag:s4], $0x700  }
0x1b: {  	[sflag:s4] =	ssyncset.done $0x0  }
0x1c: {  	[sflag:s4] =	ssyncadd.s32 $0xFFFFF900  }
0x1d: {  	v12 =	vld.idx.msk [tilespmem:v14+s10+$0x0], $0xffff  }
0x1e: {  	v13 =	vld.idx.msk [tilespmem:v11+s10+$0x0], $0xffff;
	_ =	sdelay $0x4  }
0x1f: {  	v12 =	vmul.u32 $0xF4243, v12;
	v13 =	vmul.u32 $0x16A95, v13;
	_ =	sdelay $0x1  }
0x20: {  	v12 =	vxor.u32 v13, v12  }
0x21: {  	(v2sf) =	vpush v12, $0x0  }
0x22: {  	(v2sf) =	vpush v12, $0x7;
	_ =	sdelay $0x2  }
0x23: {  	(v2sf) =	vpush v12, $0x1  }
0x24: {  	(v2sf) =	vpush v12, $0x2;
	_ =	sdelay $0x1  }
0x25: {  	(v2sf) =	vpush v12, $0x5;
	_ =	sdelay $0x1  }
0x26: {  	(v2sf) =	vpush v12, $0x3  }
0x27: {  	(v2sf) =	vpush v12, $0x4  }
0x28: {  	(v2sf) =	vpush v12, $0xC  }
0x29: {  	(v2sf) =	vpush v12, $0xD;
	_ =	sdelay $0x1  }
0x2a: {  	(v2sf) =	vpush v12, $0xE  }
0x2b: {  	s20 =	spop (v2sf)  }
0x2c: {  	s3 =	spop (v2sf);
	s16 =	smulhi.u32 $0x14F8B589, s20  }
0x2d: {  	(v2sf) =	vpush v12, $0x6;
	s1 =	sshra.s32 s20, $0x1F;
	s29 =	smulhi.u32 $0x14F8B589, s3  }
0x2e: {  	s5 =	sshra.s32 s3, $0x1F;
	s1 =	smul.u32 $0x14F8B589, s1  }
0x2f: {  	s22 =	spop (v2sf);
	s5 =	smul.u32 $0x14F8B589, s5  }
0x30: {  	(v2sf) =	vpush v12, $0x8;
	s6 =	spop (v2sf);
	s8 =	smulhi.u32 $0x14F8B589, s22  }
0x31: {  	(v2sf) =	vpush v12, $0xF;
	s4 =	sshra.s32 s22, $0x1F;
	s12 =	smulhi.u32 $0x14F8B589, s6  }
0x32: {  	s7 =	spop (v2sf);
	s4 =	smul.u32 $0x14F8B589, s4  }
0x33: {  	(v2sf) =	vpush v12, $0x9;
	s6 =	sshra.s32 s6, $0x1F;
	s24 =	smulhi.u32 $0x14F8B589, s7  }
0x34: {  	s17 =	simm.s32 $0x1420;
	s9 =	spop (v2sf);
	s6 =	smul.u32 $0x14F8B589, s6  }
0x35: {  	s18 =	simm.s32 $0x10;
	(v2sf) =	vpush v12, $0xA;
	s15 =	spop (v2sf);
	s26 =	smulhi.u32 $0x14F8B589, s9  }
0x36: {  	s13 =	sshra.s32 s15, $0x1F;
	s19 =	spop (v2sf);
	s15 =	smulhi.u32 $0x14F8B589, s15  }
0x37: {  	s8 =	sadd.s32 s4, s8;
	s2 =	spop (v2sf);
	s22 =	smul.u32 $0x14F8B589, s13  }
0x38: {  	s14 =	sadd.s32 s6, s12;
	s23 =	sshra.s32 s19, $0x1F;
	s21 =	smulhi.u32 $0x14F8B589, s2  }
0x39: {  	s4 =	sshra.s32 s14, $0xD;
	s28 =	spop (v2sf);
	s3 =	smul.u32 $0x14F8B589, s23  }
0x3a: {  	s23 =	sadd.s32 s5, s29;
	s29 =	sshra.s32 s9, $0x1F;
	s9 =	smulhi.u32 $0x14F8B589, s19  }
0x3b: {  	s30 =	sshra.s32 s7, $0x1F;
	[dreg:$0x13] =	wrdreg s4;
	s13 =	smulhi.u32 $0x14F8B589, s28  }
0x3c: {  	(v2sf) =	vpush v12, $0xB;
	s2 =	sshra.s32 s2, $0x1F;
	s25 =	spop (v2sf);
	s7 =	smul.u32 $0x14F8B589, s29  }
0x3d: {  	s20 =	sshra.s32 s23, $0x1F;
	s29 =	sshra.s32 s14, $0x1F;
	s19 =	smul.u32 $0x14F8B589, s2  }
0x3e: {  	s28 =	sshra.s32 s28, $0x1F;
	s14 =	sshrl.u32 s14, $0x1F;
	s31 =	smulhi.u32 $0x14F8B589, s25  }
0x3f: {  	s0 =	sshra.s32 s25, $0x1F;
	s25 =	sadd.s32 s3, s9;
	s12 =	spop (v2sf)  }
0x40: {  	s6 =	smul.u32 $0x14F8B589, s0;
	s26 =	sadd.s32 s7, s26;
	s5 =	spop (v2sf)  }
0x41: {  	s0 =	sadd.s32 s19, s21;
	s9 =	sshra.s32 s5, $0x1F;
	s2 =	smulhi.u32 $0x14F8B589, s5  }
0x42: {  	s21 =	sadd.s32 s1, s16;
	s4 =	spop (v2sf);
	s3 =	smul.u32 $0x14F8B589, s9  }
0x43: {  	v13 =	vmov s20;
	s20 =	sshrl.u32 s21, $0x1F;
	s5 =	sshra.s32 s12, $0x1F;
	s16 =	smulhi.u32 $0x14F8B589, s4  }
0x44: {  	s31 =	sadd.s32 s6, s31;
	s7 =	spop (v2sf);
	s5 =	smul.u32 $0x14F8B589, s5  }
0x45: {  	v14 =	vmov s20;
	s20 =	simm.s32 $0xE10;
	s6 =	sshra.s32 s4, $0x1F;
	s19 =	smulhi.u32 $0x14F8B589, s7  }
0x46: {  	[dreg:$0x2] =	wrdreg s20;
	s20 =	simm.s32 $0x1430;
	s6 =	smul.u32 $0x14F8B589, s6  }
0x47: {  	s4 =	sadd.s32 s22, s15;
	s1 =	sadd.s32 s3, s2;
	s2 =	smul.u32 $0x14F8B589, s28  }
0x48: {  	v14 =	vnsel vm3, $0x0, v14;
	s15 =	sshrl.u32 s8, $0x1F;
	s7 =	sshra.s32 s7, $0x1F;
	s3 =	smulhi.u32 $0x14F8B589, s12  }
0x49: {  	v14 =	vsel vm0, s15, v14;
	s15 =	sshra.s32 s4, $0xD;
	s7 =	smul.u32 $0x14F8B589, s7;
	s22 =	sadd.s32 s6, s16  }
0x4a: {  	s6 =	sshra.s32 s26, $0x1F;
	s12 =	sadd.s32 s2, s13;
	s2 =	sshrl.u32 s26, $0x1F  }
0x4b: {  	s9 =	sadd.s32 s7, s19;
	s7 =	sshra.s32 s26, $0xD;
	s19 =	spop (v2sf)  }
0x4c: {  	s5 =	sadd.s32 s5, s3;
	s3 =	sshra.s32 s21, $0xD;
	s26 =	sshra.s32 s19, $0x1F  }
0x4d: {  	s28 =	sshra.s32 s25, $0xD;
	s21 =	sshra.s32 s21, $0x1F;
	v13 =	vsel vm3, s3, v13;
	s16 =	smul.u32 $0x14F8B589, s26  }
0x4e: {  	s13 =	sshra.s32 s8, $0x1F;
	s8 =	sshra.s32 s8, $0xD;
	v13 =	vsel vm9, s21, v13;
	s21 =	smulhi.u32 $0x14F8B589, s19  }
0x4f: {  	v14 =	vsel vm1, s14, v14;
	v15 =	vmov s28;
	s26 =	sshra.s32 s0, $0xD;
	s19 =	sshra.s32 s4, $0x1F;
	s4 =	sshrl.u32 s4, $0x1F;
	v13 =	vsel vm0, s8, v13  }
0x50: {  	v14 =	vsel vm2, s2, v14;
	v15 =	vsel vm0, s26, v15;
	s26 =	rddreg [dreg:$0x13];
	v13 =	vsel vm10, s13, v13;
	s8 =	sadd.s32 s16, s21;
	s21 =	sshra.s32 s12, $0xD  }
0x51: {  	s28 =	sshra.s32 s1, $0xD;
	s3 =	smul.u32 $0x14F8B589, s30;
	v14 =	vsel vm4, s4, v14;
	s4 =	sshrl.u32 s5, $0x1F;
	v15 =	vsel vm1, s21, v15;
	v16 =	vsel vm1, s26, v13  }
0x52: {  	s16 =	simm.s32 $0xE00;
	s21 =	sshrl.u32 s25, $0x1F;
	s13 =	sshrl.u32 s8, $0x1F;
	v13 =	vsel vm2, s28, v15;
	v15 =	vsel vm11, s29, v16  }
.LBB2_2:
0x53: {  	v16 =	vmov s4;
	s29 =	sshra.s32 s5, $0xD  }
0x54: {  	s14 =	sshrl.u32 s22, $0x1F;
	v15 =	vsel vm2, s7, v15;
	s0 =	sshrl.u32 s0, $0x1F;
	v17 =	vmov s21;
	v18 =	vmov s29  }
0x55: {  	s30 =	sshra.s32 s8, $0xD;
	s7 =	sshrl.u32 s12, $0x1F;
	s8 =	sshrl.u32 s9, $0x1F;
	v15 =	vsel vm12, s6, v15;
	v17 =	vsel vm0, s0, v17;
	v16 =	vsel vm0, s14, v16  }
0x56: {  	s21 =	sshra.s32 s22, $0xD;
	s3 =	sadd.s32 s3, s24;
	v17 =	vsel vm1, s7, v17;
	v16 =	vsel vm1, s8, v16;
	v15 =	vsel vm4, s15, v15  }
0x57: {  	s25 =	sshra.s32 s9, $0xD;
	s2 =	sshra.s32 s3, $0xD;
	s14 =	sshrl.u32 s3, $0x1F;
	v18 =	vsel vm0, s21, v18;
	v16 =	vsel vm2, s13, v16;
	v15 =	vsel vm13, s19, v15  }
0x58: {  	s1 =	sshrl.u32 s1, $0x1F;
	s24 =	sshrl.u32 s31, $0x1F;
	s12 =	sshra.s32 s3, $0x1F;
	v14 =	vsel vm5, s14, v14;
	v18 =	vsel vm1, s25, v18;
	v15 =	vsel vm5, s2, v15  }
0x59: {  	s22 =	sshra.s32 s31, $0xD;
	v17 =	vsel vm2, s1, v17;
	v14 =	vsel vm6, s24, v14;
	v15 =	vsel vm14, s12, v15  }
0x5a: {  	s26 =	sshra.s32 s31, $0x1F;
	s28 =	sshrl.u32 s23, $0x1F;
	v18 =	vsel vm2, s30, v18;
	v16 =	vcombine.low v16, v17;
	v15 =	vsel vm6, s22, v15  }
0x5b: {  	s29 =	sshra.s32 s23, $0xD;
	v13 =	vcombine.low v18, v13;
	v14 =	vsel vm7, s28, v14;
	v15 =	vsel vm15, s26, v15  }
0x5c: {  	v14 =	vperm.xlane v14, v2;
	v16 =	vperm.xlane v16, v1;
	v15 =	vsel vm7, s29, v15  }
0x5d: {  	v13 =	vperm.xlane v13, v1;
	v15 =	vperm.xlane v15, v2;
	_ =	sdelay $0x1  }
0x5e: {  	s30 =	smov.u32 s18;
	v14 =	vsel vm8, v14, v16;
	v13 =	vsel vm8, v15, v13  }
0x5f: {  	v13 =	vadd.s32 v14, v13;
	v14 =	vor.u32 s30, v0  }
0x60: {  	v13 =	vmul.u32 $0x186A0, v13;
	v15 =	vmulhi.u32 $0x5397829D, v14;
	_ =	sdelay $0x1  }
0x61: {  	v12 =	vsub.s32 v12, v13;
	v13 =	vshrl.u32 v15, $0x4  }
0x62: {  	[tilespmem:s16+$0x0] =	vst v12;
	v12 =	vmul.u32 $0xFFFFFFCF, v13;
	_ =	sdelay $0x1  }
0x63: {  	v15 =	vld.idx.msk [tilespmem:v11+s11+$0x0], $0xffff;
	v11 =	vadd.s32 v14, v12;
	v12 =	vmul.u32 $0x38, v13  }
0x64: {  	v13 =	vadd.s32 $0x1, v11;
	v14 =	vand.u32 $0x38, v11  }
0x65: {  	v11 =	vand.u32 $0x7, v11;
	v16 =	vand.u32 $0x78, v13;
	v14 =	vadd.s32 v14, v12  }
0x66: {  	v13 =	vand.u32 $0x7, v13;
	v12 =	vadd.s32 v12, v16;
	v14 =	vor.u32 v11, v14  }
0x67: {  	v11 =	vor.u32 v13, v12;
	_ =	sdelay $0x2  }
0x68: {  	[tilespmem:s17+$0x0] =	vst v15  }
0x69: {  	v12 =	vld.idx.msk [tilespmem:v14+s10+$0x0], $0xffff  }
0x6a: {  	v13 =	vld.idx.msk [tilespmem:v11+s10+$0x0], $0xffff;
	_ =	sdelay $0x4  }
0x6b: {  	v12 =	vmul.u32 $0xF4243, v12;
	v13 =	vmul.u32 $0x16A95, v13;
	_ =	sdelay $0x1  }
0x6c: {  	v12 =	vxor.u32 v13, v12  }
0x6d: {  	(v2sf) =	vpush v12, $0x0  }
0x6e: {  	(v2sf) =	vpush v12, $0x7;
	_ =	sdelay $0x1  }
0x6f: {  	(v2sf) =	vpush v12, $0x1  }
0x70: {  	(v2sf) =	vpush v12, $0x2;
	_ =	sdelay $0x1  }
0x71: {  	(v2sf) =	vpush v12, $0x5;
	_ =	sdelay $0x1  }
0x72: {  	(v2sf) =	vpush v12, $0x3;
	_ =	sdelay $0x1  }
0x73: {  	(v2sf) =	vpush v12, $0x4  }
0x74: {  	s5 =	smov.u32 s20  }
0x75: {  	[dreg:$0x4] =	wrdreg s5;
	(v2sf) =	vpush v12, $0xC  }
0x76: {  	s2 =	sadd.s32 $0x10, s18;
	s28 =	rddreg [dreg:$0x2];
	(v2sf) =	vpush v12, $0xD  }
0x77: {  	[dreg:$0x5] =	wrdreg s2;
	s4 =	smov.u32 s28  }
0x78: {  	[dreg:$0x3] =	wrdreg s4;
	(v2sf) =	vpush v12, $0xE;
	s6 =	spop (v2sf)  }
0x79: {  	s28 =	sadd.s32 $0x10, s28;
	s7 =	smulhi.u32 $0x14F8B589, s6;
	s8 =	spop (v2sf)  }
0x7a: {  	[dreg:$0x2] =	wrdreg s28;
	s10 =	sshra.s32 s8, $0x1F;
	s3 =	smulhi.u32 $0x14F8B589, s8  }
0x7b: {  	p0 =	sne.s32 s18, $0x610;
	(v2sf) =	vpush v12, $0x6;
	s11 =	spop (v2sf);
	s0 =	smul.u32 $0x14F8B589, s10  }
0x7c: {  	s9 =	sshra.s32 s6, $0x1F;
	s15 =	spop (v2sf);
	s4 =	smulhi.u32 $0x14F8B589, s11  }
0x7d: {  	(v2sf) =	vpush v12, $0x8;
	[dreg:$0x8] =	wrdreg s7;
	s12 =	sshra.s32 s11, $0x1F;
	s6 =	smulhi.u32 $0x14F8B589, s15  }
0x7e: {  	s5 =	smov.u32 s20;
	s18 =	spop (v2sf);
	s24 =	smul.u32 $0x14F8B589, s12  }
0x7f: {  	(v2sf) =	vpush v12, $0xF;
	s17 =	sshra.s32 s15, $0x1F;
	s28 =	rddreg [dreg:$0x8];
	s19 =	smulhi.u32 $0x14F8B589, s18  }
0x80: {  	s21 =	sshra.s32 s18, $0x1F;
	s22 =	spop (v2sf);
	s13 =	sadd.s32 s0, s3  }
0x81: {  	s26 =	smul.u32 $0x14F8B589, s17;
	[dreg:$0x6] =	wrdreg s21;
	s14 =	sshra.s32 s22, $0x1F  }
0x82: {  	s16 =	spop (v2sf);
	s15 =	sshra.s32 s13, $0x1F;
	s0 =	sadd.s32 s24, s4  }
0x83: {  	(v2sf) =	vpush v12, $0x9;
	s17 =	smulhi.u32 $0x14F8B589, s22;
	[dreg:$0xa] =	wrdreg s19;
	s23 =	sshra.s32 s16, $0x1F  }
0x84: {  	s25 =	spop (v2sf);
	s10 =	sadd.s32 s26, s6;
	s14 =	smul.u32 $0x14F8B589, s14  }
0x85: {  	(v2sf) =	vpush v12, $0xA;
	s20 =	sshrl.u32 s0, $0x1F;
	s16 =	smulhi.u32 $0x14F8B589, s16;
	s29 =	spop (v2sf)  }
0x86: {  	s30 =	sshra.s32 s25, $0x1F;
	s12 =	smul.u32 $0x14F8B589, s23;
	s22 =	sshra.s32 s10, $0xD  }
0x87: {  	s23 =	sshra.s32 s10, $0x1F;
	s3 =	smulhi.u32 $0x14F8B589, s25;
	s2 =	spop (v2sf)  }
0x88: {  	(v2sf) =	vpush v12, $0xB;
	s31 =	sshra.s32 s29, $0x1F;
	s18 =	smulhi.u32 $0x14F8B589, s29;
	[dreg:$0x9] =	wrdreg s22  }
0x89: {  	[dreg:$0x7] =	wrdreg s23;
	s24 =	smul.u32 $0x14F8B589, s30;
	s1 =	sadd.s32 s14, s17  }
0x8a: {  	s14 =	sshra.s32 s0, $0xD;
	s8 =	spop (v2sf);
	s22 =	smulhi.u32 $0x14F8B589, s2  }
0x8b: {  	s19 =	sshra.s32 s2, $0x1F;
	s7 =	smulhi.u32 $0x14F8B589, s8;
	s6 =	sshra.s32 s8, $0x1F  }
0x8c: {  	s16 =	sadd.s32 s12, s16;
	s11 =	spop (v2sf);
	s26 =	smul.u32 $0x14F8B589, s6  }
0x8d: {  	s4 =	sadd.s32 s24, s3;
	s8 =	sshra.s32 s0, $0x1F;
	s6 =	smul.u32 $0x14F8B589, s31  }
0x8e: {  	s21 =	sshra.s32 s11, $0x1F;
	s2 =	spop (v2sf);
	s11 =	smulhi.u32 $0x14F8B589, s11  }
0x8f: {  	s24 =	sshra.s32 s4, $0xD;
	s23 =	sshra.s32 s2, $0x1F;
	s2 =	smulhi.u32 $0x14F8B589, s2  }
0x90: {  	s31 =	sadd.s32 s26, s7;
	s26 =	sshrl.u32 s1, $0x1F;
	s7 =	sshra.s32 s1, $0xD  }
0x91: {  	s0 =	sadd.s32 s6, s18;
	s6 =	sshra.s32 s1, $0x1F;
	s1 =	smul.u32 $0x14F8B589, s9  }
0x92: {  	s9 =	sshrl.u32 s10, $0x1F;
	s23 =	smul.u32 $0x14F8B589, s23;
	s25 =	spop (v2sf)  }
0x93: {  	s30 =	sshra.s32 s25, $0x1F;
	s18 =	smulhi.u32 $0x14F8B589, s25;
	s3 =	sadd.s32 s1, s28  }
0x94: {  	s28 =	sshra.s32 s0, $0xD;
	s1 =	sadd.s32 s23, s2;
	s29 =	spop (v2sf)  }
0x95: {  	v14 =	vmov s24;
	s17 =	smulhi.u32 $0x14F8B589, s29;
	s2 =	sshra.s32 s29, $0x1F;
	s29 =	sshrl.u32 s3, $0x1F  }
0x96: {  	v13 =	vmov s15;
	s30 =	smul.u32 $0x14F8B589, s30;
	v14 =	vsel vm0, s28, v14;
	s28 =	rddreg [dreg:$0x6];
	v15 =	vmov s29;
	s29 =	sshra.s32 s3, $0xD  }
0x97: {  	s3 =	sshra.s32 s3, $0x1F;
	s2 =	smul.u32 $0x14F8B589, s2;
	v13 =	vsel vm3, s29, v13;
	s10 =	spop (v2sf)  }
0x98: {  	s24 =	rddreg [dreg:$0xa];
	v15 =	vnsel vm3, $0x0, v15;
	v13 =	vsel vm9, s3, v13;
	s3 =	smul.u32 $0x14F8B589, s28;
	s25 =	sshra.s32 s10, $0x1F  }
0x99: {  	s15 =	sshra.s32 s16, $0xD;
	s29 =	rddreg [dreg:$0x9];
	v15 =	vsel vm0, s20, v15;
	s23 =	smul.u32 $0x14F8B589, s25  }
0x9a: {  	s20 =	sadd.s32 $0x10, s5;
	v15 =	vsel vm1, s9, v15;
	s9 =	sadd.s32 s2, s17;
	s25 =	smul.u32 $0x14F8B589, s19  }
0x9b: {  	s17 =	rddreg [dreg:$0x4];
	v15 =	vsel vm2, s26, v15;
	s26 =	sshra.s32 s1, $0xD;
	s10 =	smulhi.u32 $0x14F8B589, s10  }
0x9c: {  	s12 =	sadd.s32 s25, s22;
	s22 =	sadd.s32 s30, s18;
	s30 =	smul.u32 $0x14F8B589, s21  }
.Ltmp0:
0x9d: {  	v13 =	vsel vm0, s14, v13;
	s19 =	sshra.s32 s16, $0x1F;
	s18 =	rddreg [dreg:$0x5];
	(pc) =	sbr.rel @p0 .LBB2_2-.Ltmp0, $4  }
0x9e: {  	v17 =	vsel vm10, s8, v13;
	s25 =	sshrl.u32 s16, $0x1F;
	s16 =	rddreg [dreg:$0x3];
	s8 =	sadd.s32 s23, s10  }
0x9f: {  	s23 =	smov.u32 s13;
	s10 =	simm.s32 $0x0;
	s21 =	sshra.s32 s12, $0xD  }
0xa0: {  	s13 =	sshrl.u32 s8, $0x1F;
	v16 =	vsel vm1, s21, v14;
	s5 =	sadd.s32 s30, s11;
	v14 =	vsel vm4, s25, v15;
	v15 =	vsel vm1, s29, v17;
	s30 =	rddreg [dreg:$0x7]  }
0xa1: {  	s11 =	simm.s32 $0x700;
	s21 =	sshrl.u32 s4, $0x1F;
	v13 =	vsel vm2, s26, v16;
	s4 =	sshrl.u32 s5, $0x1F;
	v15 =	vsel vm11, s30, v15  }
0xa2: {  	v16 =	vmov s4;
	s2 =	sshra.s32 s5, $0xD  }
0xa3: {  	s5 =	sshrl.u32 s22, $0x1F;
	v15 =	vsel vm2, s7, v15;
	s0 =	sshrl.u32 s0, $0x1F;
	v17 =	vmov s21;
	v18 =	vmov s2  }
0xa4: {  	s12 =	sshrl.u32 s12, $0x1F;
	s14 =	sshrl.u32 s9, $0x1F;
	s3 =	sadd.s32 s3, s24;
	v15 =	vsel vm12, s6, v15;
	v17 =	vsel vm0, s0, v17;
	v16 =	vsel vm0, s5, v16  }
0xa5: {  	s18 =	sshra.s32 s22, $0xD;
	s21 =	sshrl.u32 s3, $0x1F;
	v17 =	vsel vm1, s12, v17;
	v16 =	vsel vm1, s14, v16;
	v15 =	vsel vm4, s15, v15  }
0xa6: {  	s22 =	sshra.s32 s9, $0xD;
	s20 =	sshra.s32 s3, $0xD;
	v18 =	vsel vm0, s18, v18;
	v14 =	vsel vm5, s21, v14;
	v15 =	vsel vm13, s19, v15  }
0xa7: {  	s25 =	sshrl.u32 s31, $0x1F;
	s1 =	sshrl.u32 s1, $0x1F;
	s3 =	sshra.s32 s3, $0x1F;
	v16 =	vsel vm2, s13, v16;
	v18 =	vsel vm1, s22, v18;
	v15 =	vsel vm5, s20, v15  }
0xa8: {  	s24 =	sshra.s32 s8, $0xD;
	s26 =	sshra.s32 s31, $0xD;
	v14 =	vsel vm6, s25, v14;
	v17 =	vsel vm2, s1, v17;
	v15 =	vsel vm14, s3, v15  }
0xa9: {  	s28 =	sshra.s32 s31, $0x1F;
	s29 =	sshrl.u32 s23, $0x1F;
	v18 =	vsel vm2, s24, v18;
	v16 =	vcombine.low v16, v17;
	v15 =	vsel vm6, s26, v15  }
0xaa: {  	s30 =	sshra.s32 s23, $0xD;
	v14 =	vsel vm7, s29, v14;
	v13 =	vcombine.low v18, v13;
	v15 =	vsel vm15, s28, v15  }
0xab: {  	v14 =	vperm.xlane v14, v2;
	v16 =	vperm.xlane v16, v1;
	v15 =	vsel vm7, s30, v15  }
0xac: {  	v13 =	vperm.xlane v13, v1;
	v15 =	vperm.xlane v15, v2;
	_ =	sdelay $0x1  }
0xad: {  	v14 =	vsel vm8, v14, v16;
	v13 =	vsel vm8, v15, v13  }
0xae: {  	v13 =	vadd.s32 v14, v13  }
0xaf: {  	v13 =	vmul.u32 $0x186A0, v13;
	_ =	sdelay $0x1  }
0xb0: {  	v12 =	vsub.s32 v12, v13  }
0xb1: {  	[tilespmem:s16+$0x0] =	vst v12  }
0xb2: {  	s8 =	simm.s32 $0x38;
	s7 =	rddreg [dreg:$0xd];
	v11 =	vld.idx.msk [tilespmem:v11+s11+$0x0], $0xffff  }
0xb3: {  	s31 =	simm.s32 $0xE00;
	s9 =	simm.s32 $0x1A50;
	s5 =	rddreg [dreg:$0xb]  }
0xb4: {  	s23 =	simm.s32 $0x0;
	s4 =	simm.s32 $0x3;
	s6 =	rddreg [dreg:$0xc]  }
0xb5: {  	s12 =	simm.s32 $0x1;
	s14 =	simm.s32 $0x1CFD0;
	s15 =	simm.s32 $0x1D350  }
0xb6: {  	s18 =	simm.s32 $0x2;
	s13 =	simm.s32 $0xF510;
	s24 =	simm.s32 $0x0  }
0xb7: {  	s3 =	rddreg [dreg:$0x10];
	s16 =	simm.s32 $0x1D6D0;
	[tilespmem:s17+$0x0] =	vst v11;
	s17 =	simm.s32 $0x1D710  }
0xb8: {  	[tilespmem:s9], [sflag:$0x1] =	stream.indirect.gather [hbm4b:s5+s8], $0x3E8, s31, s8, $0xb8;
	[tilespmem:$0x1D750] =	vst v63  }
.LBB2_4:
0xb9: {  	s26 =	sor.u32 $0x1, s23  }
0xba: {  	_ =	swait.ge [sflag:s12], $0xDAC0;
	s25 =	smul.u32 $0x38, s26  }
0xbb: {  	s28 =	simm.s32 $0x1A50;
	[sflag:s12] =	ssyncset.done $0x0  }
0xbc: {  	s29 =	simm.s32 $0x0;
	[sflag:s12] =	ssyncadd.s32 $0xFFFF2540;
	s0 =	sadd.s32 $0xE00, s25  }
0xbd: {  	[tilespmem:s13], [sflag:$0x2] =	stream.indirect.gather [hbm4b:s5+s8], $0x3E8, s0, s8, $0xb8;
	[tilespmem:$0x1D750] =	vst v63  }
.LBB2_5:
0xbe: {  	v14 =	vmov s28;
	_ =	sdelay $0x2  }
0xbf: {  	s0 =	smul.u32 $0xFA0, s29  }
0xc0: {  	s2 =	simm.s32 $0x0  }
0xc1: {  	v12 =	vimm.f32 $-Inf;
	s1 =	simm.s32 $0x40;
	s0 =	sshra.s32 s0, $0x2;
	v13 =	vld.idx.msk [tilespmem:v14+s2+$0x0 ss:$0x1], $0xffff  }
.LBB2_6:
0xc2: {  	p0 =	sne.s32 s1, $0xF40  }
.Ltmp1:
0xc3: {  	_ = 	snop;
	(pc) =	sbr.rel @p0 .LBB2_6-.Ltmp1, $3  }
0xc4: {  	_ =	sdelay $0x1  }
0xc5: {  	s2 =	sshra.s32 s1, $0x2;
	s1 =	sadd.s32 $0x40, s1  }
0xc6: {  	v12 =	vmax.f32 v12, v13;
	v13 =	vld.idx.msk [tilespmem:v14+s2+$0x0 ss:$0x1], $0xffff  }
0xc7: {  	v11 =	vld [tilespmem:s0+$0x1E28];
	_ =	sdelay $0x3  }
0xc8: {  	v12 =	vmax.f32 v12, v13  }
0xc9: {  	v12 =	vmax.f32 v12, v11  }
0xca: {  	(xrf0) =	vmax.scan.msk.f32 $0xffff, v12;
	_ =	sdelay $0x5  }
0xcb: {  	v12, _, _ =	vpop (xrf0)  }
0xcc: {  	v12 =	vmul.f32 $3.333333510e-02, v12;
	_ =	sdelay $0x1  }
0xcd: {  	v12 =	vbroadcast v12, $0xF;
	_ =	sdelay $0x1  }
0xce: {  	v13 =	vand.u32 $0x7FFFFFFF, v12  }
0xcf: {  	v13 =	vmul.f32 $-2.000000000e+00, v13;
	_ =	sdelay $0x1  }
0xd0: {  	v13 =	vmul.f32 $1.442695020e+00, v13;
	_ =	sdelay $0x1  }
0xd1: {  	s31 =	simm.s32 $0x0;
	(erf) = vpow2.f32 v13  }
0xd2: {  	v13 =	vld.idx.msk [tilespmem:v14+s31+$0x0 ss:$0x1], $0xffff;
	_ =	sdelay $0x3  }
0xd3: {  	s1 =	simm.s32 $0x10  }
0xd4: {  	v15 =	vld.idx.msk [tilespmem:v14+s1+$0x0 ss:$0x1], $0xffff;
	v16 =	vmul.f32 $3.333333510e-02, v13;
	_ =	sdelay $0x1  }
0xd5: {  	v13 =	vand.u32 $0x7FFFFFFF, v16  }
0xd6: {  	v13 =	vmul.f32 $-2.000000000e+00, v13;
	v17 =	vpop (erf)  }
0xd7: {  	s2 =	simm.s32 $0x20;
	v18 =	vadd.f32 $1.000000000e+00, v17  }
0xd8: {  	v19 =	vmul.f32 $3.333333510e-02, v15;
	v15 =	vld.idx.msk [tilespmem:v14+s2+$0x0 ss:$0x1], $0xffff;
	v13 =	vmul.f32 $1.442695020e+00, v13  }
0xd9: {  	(erf) = vrcp.f32 v18  }
0xda: {  	v18 =	vand.u32 $0x7FFFFFFF, v19;
	(erf) = vpow2.f32 v13  }
0xdb: {  	v13 =	vmul.f32 $-2.000000000e+00, v18;
	_ =	sdelay $0x1  }
0xdc: {  	s19 =	simm.s32 $0x30;
	v20 =	vmul.f32 $3.333333510e-02, v15;
	v13 =	vmul.f32 $1.442695020e+00, v13  }
0xdd: {  	v18 =	vld.idx.msk [tilespmem:v14+s19+$0x0 ss:$0x1], $0xffff  }
0xde: {  	(erf) = vpow2.f32 v13;
	v13 =	vand.u32 $0x7FFFFFFF, v20  }
0xdf: {  	v13 =	vmul.f32 $-2.000000000e+00, v13;
	_ =	sdelay $0x1  }
0xe0: {  	s20 =	simm.s32 $0x40;
	v13 =	vmul.f32 $1.442695020e+00, v13;
	v21 =	vpop (erf)  }
0xe1: {  	v15 =	vmul.f32 $3.333333510e-02, v18;
	v18 =	vld.idx.msk [tilespmem:v14+s20+$0x0 ss:$0x1], $0xffff;
	v22 =	vpop (erf)  }
0xe2: {  	(erf) = vpow2.f32 v13;
	v24 =	vadd.f32 $1.000000000e+00, v22  }
0xe3: {  	v23 =	vand.u32 $0x7FFFFFFF, v15  }
0xe4: {  	v13 =	vmul.f32 $-2.000000000e+00, v23;
	(erf) = vrcp.f32 v24;
	_ =	sdelay $0x1  }
0xe5: {  	v18 =	vmul.f32 $3.333333510e-02, v18;
	v13 =	vmul.f32 $1.442695020e+00, v13;
	v23 =	vpop (erf)  }
0xe6: {  	s21 =	simm.s32 $0x50;
	v24 =	vadd.f32 $1.000000000e+00, v23  }
0xe7: {  	v25 =	vand.u32 $0x7FFFFFFF, v18;
	(erf) = vpow2.f32 v13;
	v13 =	vsub.f32 $1.000000000e+00, v17;
	v17 =	vld.idx.msk [tilespmem:v14+s21+$0x0 ss:$0x1], $0xffff  }
0xe8: {  	(erf) = vrcp.f32 v24;
	v24 =	vmul.f32 $-2.000000000e+00, v25  }
0xe9: {  	v22 =	vsub.f32 $1.000000000e+00, v22;
	v13 =	vmul.f32 $3.000000000e+01, v13  }
0xea: {  	v25 =	vpop (erf);
	v24 =	vmul.f32 $1.442695020e+00, v24  }
0xeb: {  	s22 =	simm.s32 $0x60;
	v21 =	vmul.f32 v21, v13;
	v13 =	vmul.f32 $3.000000000e+01, v22;
	v22 =	vadd.f32 $1.000000000e+00, v25  }
0xec: {  	v26 =	vld.idx.msk [tilespmem:v14+s22+$0x0 ss:$0x1], $0xffff;
	vm9 =	vlt.f32 v12, $0.0e+00;
	v17 =	vmul.f32 $3.333333510e-02, v17;
	(erf) = vpow2.f32 v24;
	v12 =	vpop (erf)  }
0xed: {  	(erf) = vrcp.f32 v22;
	v24 =	vmul.f32 v12, v13  }
0xee: {  	v22 =	vsub.f32 $0.0e+00, v21;
	v12 =	vsub.f32 $1.000000000e+00, v23;
	v23 =	vand.u32 $0x7FFFFFFF, v17  }
0xef: {  	v23 =	vmul.f32 $-2.000000000e+00, v23;
	v27 =	vsub.f32 $0.0e+00, v24  }
0xf0: {  	s30 =	simm.s32 $0x70;
	v28 =	vpop (erf);
	v29 =	vmul.f32 $3.000000000e+01, v12;
	v12 =	vsel vm9, v22, v21;
	vm9 =	vlt.f32 v16, $0.0e+00  }
0xf1: {  	v16 =	vmul.f32 $3.333333510e-02, v26;
	v22 =	vld.idx.msk [tilespmem:v14+s30+$0x0 ss:$0x1], $0xffff;
	v21 =	vpop (erf);
	v24 =	vsel vm9, v27, v24  }
0xf2: {  	v23 =	vmul.f32 $1.442695020e+00, v23;
	v26 =	vmul.f32 v21, v29;
	v21 =	vsub.f32 v24, v12  }
0xf3: {  	v27 =	vadd.f32 $1.000000000e+00, v28;
	v24 =	vand.u32 $0x7FFFFFFF, v16  }
0xf4: {  	vm9 =	vlt.f32 v19, $0.0e+00;
	(erf) = vpow2.f32 v23;
	v24 =	vmul.f32 $-2.000000000e+00, v24  }
0xf5: {  	v23 =	vsub.f32 $1.000000000e+00, v25;
	(erf) = vrcp.f32 v27;
	v29 =	vmul.f32 $1.442695020e+00, v21  }
0xf6: {  	v25 =	vsub.f32 $0.0e+00, v26;
	v19 =	vmul.f32 $3.333333510e-02, v22;
	v22 =	vmul.f32 $1.442695020e+00, v24;
	v21 =	vpop (erf)  }
0xf7: {  	(erf) = vpow2.f32 v29;
	v27 =	vadd.f32 $1.000000000e+00, v21  }
0xf8: {  	s31 =	simm.s32 $0x80;
	v23 =	vmul.f32 $3.000000000e+01, v23;
	v25 =	vsel vm9, v25, v26;
	(erf) = vpow2.f32 v22  }
0xf9: {  	v25 =	vsub.f32 v25, v12;
	v24 =	vpop (erf);
	v22 =	vld.idx.msk [tilespmem:v14+s31+$0x0 ss:$0x1], $0xffff;
	(erf) = vrcp.f32 v27  }
0xfa: {  	v23 =	vmul.f32 v24, v23  }
0xfb: {  	v13 =	vimm.f32 $0.0e+00;
	v26 =	vmul.f32 $1.442695020e+00, v25  }
0xfc: {  	s0 =	simm.s32 $0x240;
	v24 =	vand.u32 $0x7FFFFFFF, v19;
	v25 =	vsub.f32 $1.000000000e+00, v28;
	v27 =	vsub.f32 $0.0e+00, v23  }
.LBB2_8:
0xfd: {  	s1 =	sshra.s32 s0, $0x2;
	v24 =	vmul.f32 $-2.000000000e+00, v24;
	vm9 =	vlt.f32 v20, $0.0e+00;
	(erf) = vpow2.f32 v26;
	v20 =	vmovc v15;
	v15 =	vmovc v18;
	p0 =	sne.s32 s0, $0xF40  }
.Ltmp2:
0xfe: {  	v28 =	vmul.f32 $3.333333510e-02, v22;
	v22 =	vld.idx.msk [tilespmem:v14+s1+$0x0 ss:$0x1], $0xffff;
	v29 =	vpop (erf);
	v25 =	vmul.f32 $3.000000000e+01, v25;
	v30 =	vsel vm9, v27, v23;
	(pc) =	sbr.rel @p0 .LBB2_8-.Ltmp2, $4  }
0xff: {  	v18 =	vmov v17;
	v26 =	vmul.f32 $1.442695020e+00, v24;
	v23 =	vpop (erf);
	v27 =	vsub.f32 v30, v12  }
0x100: {  	s0 =	sadd.s32 $0x40, s0;
	v24 =	vand.u32 $0x7FFFFFFF, v28;
	v30 =	vadd.f32 $1.000000000e+00, v29;
	v23 =	vmul.f32 v23, v25;
	v17 =	vpop (erf)  }
0x101: {  	(erf) = vpow2.f32 v26;
	v26 =	vmul.f32 $1.442695020e+00, v27;
	v13 =	vadd.f32 v17, v13;
	v17 =	vmovc v16;
	v16 =	vmovc v19  }
0x102: {  	v25 =	vsub.f32 $1.000000000e+00, v21;
	v21 =	vmovc v29;
	v19 =	vmovc v28;
	(erf) = vrcp.f32 v30;
	v27 =	vsub.f32 $0.0e+00, v23  }
0x103: {  	v14 =	vmul.f32 $-2.000000000e+00, v24;
	vm9 =	vlt.f32 v20, $0.0e+00;
	v56 =	vmul.f32 $3.333333510e-02, v22  }
0x104: {  	v57 =	vsel vm9, v27, v23;
	v25 =	vmul.f32 $3.000000000e+01, v25  }
0x105: {  	v58 =	vpop (erf);
	v14 =	vmul.f32 $1.442695020e+00, v14;
	v22 =	vsub.f32 v57, v12;
	v59 =	vand.u32 $0x7FFFFFFF, v56  }
0x106: {  	(erf) = vpow2.f32 v26;
	v60 =	vadd.f32 $1.000000000e+00, v58;
	v24 =	vmul.f32 $-2.000000000e+00, v59  }
0x107: {  	(erf) = vpow2.f32 v14;
	v61 =	vmul.f32 $1.442695020e+00, v22  }
0x108: {  	v21 =	vsub.f32 $1.000000000e+00, v21;
	v62 =	vpop (erf);
	(erf) = vrcp.f32 v60;
	v24 =	vmul.f32 $1.442695020e+00, v24  }
0x109: {  	v22 =	vmul.f32 v62, v25;
	v25 =	vpop (erf);
	(erf) = vpow2.f32 v61  }
0x10a: {  	v21 =	vmul.f32 $3.000000000e+01, v21;
	v63 =	vpop (erf);
	(erf) = vpow2.f32 v24  }
0x10b: {  	v28 =	vpop (erf)  }
0x10c: {  	v29 =	vsub.f32 $0.0e+00, v22;
	v21 =	vmul.f32 v28, v21  }
0x10d: {  	vm9 =	vlt.f32 v15, $0.0e+00  }
0x10e: {  	v15 =	vsel vm9, v29, v22;
	v30 =	vsub.f32 $0.0e+00, v21  }
0x10f: {  	vm9 =	vlt.f32 v18, $0.0e+00;
	v15 =	vsub.f32 v15, v12;
	v31 =	vpop (erf)  }
0x110: {  	v32 =	vadd.f32 $1.000000000e+00, v63;
	v33 =	vpop (erf);
	v21 =	vsel vm9, v30, v21  }
0x111: {  	v15 =	vmul.f32 $1.442695020e+00, v15;
	v34 =	vpop (erf);
	v21 =	vsub.f32 v21, v12  }
0x112: {  	(erf) = vrcp.f32 v32;
	v35 =	vadd.f32 $1.000000000e+00, v33;
	v36 =	vpop (erf)  }
0x113: {  	(erf) = vpow2.f32 v15;
	v37 =	vmul.f32 $1.442695020e+00, v21;
	v38 =	vpop (erf)  }
0x114: {  	(erf) = vrcp.f32 v35;
	v39 =	vadd.f32 $1.000000000e+00, v38  }
0x115: {  	(erf) = vpow2.f32 v37  }
0x116: {  	v40 =	vsub.f32 $1.000000000e+00, v58;
	(erf) = vrcp.f32 v39;
	_ =	sdelay $0x1  }
0x117: {  	v15 =	vmul.f32 $3.000000000e+01, v40;
	_ =	sdelay $0x1  }
0x118: {  	v14 =	vsub.f32 $1.000000000e+00, v63;
	v15 =	vmul.f32 v34, v15  }
0x119: {  	v42 =	vsub.f32 $1.000000000e+00, v33;
	v41 =	vpop (erf)  }
0x11a: {  	v14 =	vmul.f32 $3.000000000e+01, v14;
	v21 =	vsub.f32 $1.000000000e+00, v38;
	v43 =	vsub.f32 $0.0e+00, v15;
	v44 =	vpop (erf)  }
0x11b: {  	vm9 =	vlt.f32 v17, $0.0e+00;
	v45 =	vmul.f32 $3.000000000e+01, v42;
	v46 =	vpop (erf)  }
0x11c: {  	v21 =	vmul.f32 $3.000000000e+01, v21;
	v15 =	vsel vm9, v43, v15;
	v14 =	vmul.f32 v41, v14;
	v47 =	vpop (erf)  }
0x11d: {  	v15 =	vsub.f32 v15, v12;
	v17 =	vmul.f32 v46, v45;
	v49 =	vpop (erf)  }
0x11e: {  	v11 =	vmul.f32 $3.333333510e-02, v11;
	v48 =	vsub.f32 $0.0e+00, v14;
	v50 =	vmul.f32 v49, v21  }
0x11f: {  	vm9 =	vlt.f32 v16, $0.0e+00;
	v15 =	vmul.f32 $1.442695020e+00, v15;
	v51 =	vsub.f32 $0.0e+00, v17  }
0x120: {  	v14 =	vsel vm9, v48, v14;
	vm9 =	vlt.f32 v19, $0.0e+00;
	v52 =	vsub.f32 $0.0e+00, v50  }
0x121: {  	v14 =	vsub.f32 v14, v12;
	v17 =	vsel vm9, v51, v17;
	vm9 =	vlt.f32 v56, $0.0e+00  }
0x122: {  	v54 =	vand.u32 $0x7FFFFFFF, v11;
	v53 =	vsub.f32 v17, v12;
	v16 =	vsel vm9, v52, v50  }
0x123: {  	(erf) = vpow2.f32 v15;
	v14 =	vmul.f32 $1.442695020e+00, v14;
	v16 =	vsub.f32 v16, v12  }
0x124: {  	v17 =	vmul.f32 $-2.000000000e+00, v54;
	v15 =	vmul.f32 $1.442695020e+00, v53  }
0x125: {  	(erf) = vpow2.f32 v14;
	v55 =	vmul.f32 $1.442695020e+00, v16  }
0x126: {  	v56 =	vmul.f32 $1.442695020e+00, v17;
	(erf) = vpow2.f32 v15  }
0x127: {  	(erf) = vpow2.f32 v55  }
0x128: {  	(erf) = vpow2.f32 v56;
	_ =	sdelay $0x4  }
0x129: {  	v57 =	vpop (erf)  }
0x12a: {  	v58 =	vpop (erf)  }
0x12b: {  	v59 =	vpop (erf)  }
0x12c: {  	v60 =	vpop (erf)  }
0x12d: {  	v61 =	vpop (erf)  }
0x12e: {  	v62 =	vadd.f32 $1.000000000e+00, v61;
	_ =	sdelay $0x1  }
0x12f: {  	(erf) = vrcp.f32 v62;
	_ =	sdelay $0x5  }
0x130: {  	v18 =	vsub.f32 $1.000000000e+00, v61;
	_ =	sdelay $0x1  }
0x131: {  	v18 =	vmul.f32 $3.000000000e+01, v18  }
0x132: {  	v19 =	vpop (erf)  }
0x133: {  	v18 =	vmul.f32 v19, v18;
	_ =	sdelay $0x1  }
0x134: {  	v13 =	vadd.f32 v25, v13;
	v19 =	vsub.f32 $0.0e+00, v18  }
0x135: {  	vm9 =	vlt.f32 v11, $0.0e+00  }
0x136: {  	v11 =	vadd.f32 v31, v13;
	v63 =	vsel vm9, v19, v18  }
0x137: {  	v13 =	vsub.f32 v63, v12  }
0x138: {  	v11 =	vadd.f32 v36, v11  }
0x139: {  	v13 =	vmul.f32 $1.442695020e+00, v13  }
0x13a: {  	v11 =	vadd.f32 v44, v11  }
0x13b: {  	(erf) = vpow2.f32 v13  }
0x13c: {  	v11 =	vadd.f32 v47, v11;
	_ =	sdelay $0x1  }
0x13d: {  	v11 =	vadd.f32 v57, v11;
	_ =	sdelay $0x1  }
0x13e: {  	v11 =	vadd.f32 v58, v11;
	_ =	sdelay $0x1  }
0x13f: {  	v11 =	vadd.f32 v59, v11;
	_ =	sdelay $0x1  }
0x140: {  	v11 =	vadd.f32 v60, v11;
	v13 =	vpop (erf)  }
0x141: {  	v13 =	vsel vm8, $0x0, v13  }
0x142: {  	v11 =	vadd.f32 v11, v13;
	_ =	sdelay $0x1  }
0x143: {  	(xrf2) =	vadd.scan.msk.f32 $0xffff, v11;
	_ =	sdelay $0x6  }
0x144: {  	s0 =	sshll.u32 s29, $0x4;
	s29 =	sadd.s32 $0x1, s29  }
0x145: {  	p0 =	sne.s32 s29, $0x38  }
.Ltmp3:
0x146: {  	_ = 	snop;
	(pc) =	sbr.rel @p0 .LBB2_5-.Ltmp3, $4  }
0x147: {  	v11, _, _ =	vpop (xrf2)  }
0x148: {  	v11 =	vbroadcast v11, $0xF  }
0x149: {  	[tilespmem:s0+$0x1CFD0] =	vst v12  }
0x14a: {  	s28 =	sadd.s32 $0x3E8, s28;
	[tilespmem:s0+$0x1D350] =	vst v11  }
0x14b: {  	s0 =	smul.u32 $0x38, s23;
	_ =	sdelay $0x1  }
0x14c: {  	v11 =	vld [tilespmem:s0+$0x1420];
	_ =	sdelay $0x4  }
0x14d: {  	vm9 =	vgt.s32 v11, $0x0  }
0x14e: {  	v11 =	vnsel vm9, $0x0, v11  }
0x14f: {  	v11 =	vmin.u32 v11, $0x3E7  }
0x150: {  	v11 =	vadd.s32 v3, v11;
	_ =	sdelay $0x4  }
0x151: {  	v11 =	vld.idx.msk [tilespmem:v11+s9+$0x0], $0xffff;
	_ =	sdelay $0x4  }
0x152: {  	v11 =	vmul.f32 $3.333333510e-02, v11;
	_ =	sdelay $0x1  }
0x153: {  	v12 =	vand.u32 $0x7FFFFFFF, v11  }
0x154: {  	v12 =	vmul.f32 $-2.000000000e+00, v12;
	_ =	sdelay $0x1  }
0x155: {  	v12 =	vmul.f32 $1.442695020e+00, v12;
	_ =	sdelay $0x1  }
0x156: {  	(erf) = vpow2.f32 v12;
	_ =	sdelay $0x8  }
0x157: {  	v12 =	vpop (erf)  }
0x158: {  	v13 =	vadd.f32 $1.000000000e+00, v12;
	_ =	sdelay $0x1  }
0x159: {  	(erf) = vrcp.f32 v13;
	_ =	sdelay $0x5  }
0x15a: {  	v12 =	vsub.f32 $1.000000000e+00, v12;
	_ =	sdelay $0x1  }
0x15b: {  	v12 =	vmul.f32 $3.000000000e+01, v12  }
0x15c: {  	v13 =	vpop (erf)  }
0x15d: {  	v51 =	vld.idx.msk [tilespmem:v4+s14+$0x0], $0xffff;
	v12 =	vmul.f32 v13, v12  }
0x15e: {  	vm9 =	vlt.f32 v11, $0.0e+00;
	v11 =	vld.idx.msk [tilespmem:v4+s15+$0x0], $0xffff  }
0x15f: {  	v14 =	vsub.f32 $0.0e+00, v12;
	_ =	sdelay $0x1  }
0x160: {  	v12 =	vsel vm9, v14, v12  }
0x161: {  	v12 =	vsub.f32 v51, v12  }
0x162: {  	[tilespmem:$0x1D710] =	vst v11  }
0x163: {  	[tilespmem:$0x1D6D0] =	vst v12  }
0x164: {  	v11 =	vld [tilespmem:s0+$0x1430];
	_ =	sdelay $0x4  }
0x165: {  	vm9 =	vgt.s32 v11, $0x0  }
0x166: {  	v11 =	vnsel vm9, $0x0, v11  }
0x167: {  	v11 =	vmin.u32 v11, $0x3E7  }
0x168: {  	v11 =	vadd.s32 v5, v11;
	_ =	sdelay $0x4  }
0x169: {  	v11 =	vld.idx.msk [tilespmem:v11+s9+$0x0], $0xffff;
	_ =	sdelay $0x4  }
0x16a: {  	v11 =	vmul.f32 $3.333333510e-02, v11;
	_ =	sdelay $0x1  }
0x16b: {  	v52 =	vand.u32 $0x7FFFFFFF, v11  }
0x16c: {  	v12 =	vmul.f32 $-2.000000000e+00, v52;
	_ =	sdelay $0x1  }
0x16d: {  	v12 =	vmul.f32 $1.442695020e+00, v12;
	_ =	sdelay $0x1  }
0x16e: {  	(erf) = vpow2.f32 v12;
	_ =	sdelay $0x8  }
0x16f: {  	v12 =	vpop (erf)  }
0x170: {  	v53 =	vadd.f32 $1.000000000e+00, v12;
	_ =	sdelay $0x1  }
0x171: {  	(erf) = vrcp.f32 v53;
	_ =	sdelay $0x5  }
0x172: {  	v12 =	vsub.f32 $1.000000000e+00, v12;
	_ =	sdelay $0x1  }
0x173: {  	v12 =	vmul.f32 $3.000000000e+01, v12  }
0x174: {  	v13 =	vpop (erf)  }
0x175: {  	v54 =	vld.idx.msk [tilespmem:v6+s14+$0x0], $0xffff;
	v12 =	vmul.f32 v13, v12  }
0x176: {  	vm9 =	vlt.f32 v11, $0.0e+00;
	v11 =	vld.idx.msk [tilespmem:v6+s15+$0x0], $0xffff  }
0x177: {  	v55 =	vsub.f32 $0.0e+00, v12;
	_ =	sdelay $0x1  }
0x178: {  	v12 =	vsel vm9, v55, v12  }
0x179: {  	v12 =	vsub.f32 v54, v12  }
0x17a: {  	[tilespmem:$0x1D720] =	vst v11  }
0x17b: {  	[tilespmem:$0x1D6E0] =	vst v12  }
0x17c: {  	v11 =	vld [tilespmem:s0+$0x1440];
	_ =	sdelay $0x4  }
0x17d: {  	vm9 =	vgt.s32 v11, $0x0  }
0x17e: {  	v11 =	vnsel vm9, $0x0, v11  }
0x17f: {  	v11 =	vmin.u32 v11, $0x3E7  }
0x180: {  	v11 =	vadd.s32 v7, v11;
	_ =	sdelay $0x4  }
0x181: {  	v11 =	vld.idx.msk [tilespmem:v11+s9+$0x0], $0xffff;
	_ =	sdelay $0x4  }
0x182: {  	v11 =	vmul.f32 $3.333333510e-02, v11;
	_ =	sdelay $0x1  }
0x183: {  	v56 =	vand.u32 $0x7FFFFFFF, v11  }
0x184: {  	v12 =	vmul.f32 $-2.000000000e+00, v56;
	_ =	sdelay $0x1  }
0x185: {  	v12 =	vmul.f32 $1.442695020e+00, v12;
	_ =	sdelay $0x1  }
0x186: {  	(erf) = vpow2.f32 v12;
	_ =	sdelay $0x8  }
0x187: {  	v12 =	vpop (erf)  }
0x188: {  	v57 =	vadd.f32 $1.000000000e+00, v12;
	_ =	sdelay $0x1  }
0x189: {  	(erf) = vrcp.f32 v57;
	_ =	sdelay $0x5  }
0x18a: {  	v12 =	vsub.f32 $1.000000000e+00, v12;
	_ =	sdelay $0x1  }
0x18b: {  	v12 =	vmul.f32 $3.000000000e+01, v12  }
0x18c: {  	v13 =	vpop (erf)  }
0x18d: {  	v58 =	vld.idx.msk [tilespmem:v8+s14+$0x0], $0xffff;
	v12 =	vmul.f32 v13, v12  }
0x18e: {  	vm9 =	vlt.f32 v11, $0.0e+00;
	v11 =	vld.idx.msk [tilespmem:v8+s15+$0x0], $0xffff  }
0x18f: {  	v59 =	vsub.f32 $0.0e+00, v12;
	_ =	sdelay $0x1  }
0x190: {  	v12 =	vsel vm9, v59, v12  }
0x191: {  	v12 =	vsub.f32 v58, v12  }
0x192: {  	[tilespmem:$0x1D730] =	vst v11  }
0x193: {  	[tilespmem:$0x1D6F0] =	vst v12  }
0x194: {  	v11 =	vld [tilespmem:s0+$0x1450];
	_ =	sdelay $0x4  }
0x195: {  	vm9 =	vgt.s32 v11, $0x0  }
0x196: {  	v11 =	vnsel vm9, $0x0, v11  }
0x197: {  	v11 =	vmin.u32 v11, $0x3E7  }
0x198: {  	v11 =	vadd.s32 v9, v11;
	_ =	sdelay $0x4  }
0x199: {  	v11 =	vld.idx.msk [tilespmem:v11+s9+$0x0], $0xffff;
	_ =	sdelay $0x4  }
0x19a: {  	v11 =	vmul.f32 $3.333333510e-02, v11;
	_ =	sdelay $0x1  }
0x19b: {  	v60 =	vand.u32 $0x7FFFFFFF, v11  }
0x19c: {  	v12 =	vmul.f32 $-2.000000000e+00, v60;
	_ =	sdelay $0x1  }
0x19d: {  	v12 =	vmul.f32 $1.442695020e+00, v12;
	_ =	sdelay $0x1  }
0x19e: {  	(erf) = vpow2.f32 v12;
	_ =	sdelay $0x8  }
0x19f: {  	v12 =	vpop (erf)  }
0x1a0: {  	v61 =	vadd.f32 $1.000000000e+00, v12;
	_ =	sdelay $0x1  }
0x1a1: {  	(erf) = vrcp.f32 v61;
	_ =	sdelay $0x5  }
0x1a2: {  	v12 =	vsub.f32 $1.000000000e+00, v12;
	_ =	sdelay $0x1  }
0x1a3: {  	v12 =	vmul.f32 $3.000000000e+01, v12  }
0x1a4: {  	v13 =	vpop (erf)  }
0x1a5: {  	v62 =	vld.idx.msk [tilespmem:v10+s14+$0x0], $0xffff;
	v12 =	vmul.f32 v13, v12  }
0x1a6: {  	vm9 =	vlt.f32 v11, $0.0e+00;
	v11 =	vld.idx.msk [tilespmem:v10+s15+$0x0], $0xffff  }
0x1a7: {  	v63 =	vsub.f32 $0.0e+00, v12;
	_ =	sdelay $0x1  }
0x1a8: {  	v12 =	vsel vm9, v63, v12  }
0x1a9: {  	s0 =	sadd.s32 s3, s0;
	v12 =	vsub.f32 v62, v12  }
0x1aa: {  	s0 =	sshrl.u32 s0, $0x3;
	[tilespmem:$0x1D740] =	vst v11  }
0x1ab: {  	s1 =	sadd.s32 s6, s0;
	[tilespmem:$0x1D700] =	vst v12  }
0x1ac: {  	[hbm4b:s1+s10] =	stream.linear.scatter [tilespmem:s16], [sflag:$0x3], $0x38, $0x38;
	[tilespmem:$0x1D750] =	vst v63  }
0x1ad: {  	_ =	swait.ge [sflag:s4], $0x38  }
0x1ae: {  	[sflag:s4] =	ssyncset.done $0x0  }
0x1af: {  	s0 =	sadd.s32 s7, s0;
	[sflag:s4] =	ssyncadd.s32 $0xFFFFFFC8  }
0x1b0: {  	[hbm4b:s0+s10] =	stream.linear.scatter [tilespmem:s17], [sflag:$0x3], $0x38, $0x38;
	[tilespmem:$0x1D750] =	vst v63  }
0x1b1: {  	_ =	swait.ge [sflag:s4], $0x38  }
0x1b2: {  	p0 =	sgt.u32 s26, $0x1A;
	[sflag:s4] =	ssyncset.done $0x0  }
0x1b3: {  	s0 =	smul.u32 @!p0 $0xE0, s23;
	[sflag:s4] =	ssyncadd.s32 $0xFFFFFFC8  }
0x1b4: {  	s26 =	simm.s32 $0x0;
	s28 =	simm.s32 $0xF510;
	_ =	swait.ge [sflag:s18], $0xDAC0  }
0x1b5: {  	s2 =	simm.s32 @!p0 $0x1A50;
	s0 =	sshra.s32 @!p0 s0, $0x2;
	[sflag:s18] =	ssyncset.done $0x0  }
0x1b6: {  	s1 =	simm.s32 @!p0 $0x38;
	s0 =	sadd.s32 @!p0 $0xE70, s0;
	[sflag:s18] =	ssyncadd.s32 $0xFFFF2540  }
0x1b7: {  	[tilespmem:s2], [sflag:$0x1] =	stream.indirect.gather @!p0 [hbm4b:s5+s1], $0x3E8, s0, s1, $0xb8;
	[tilespmem:$0x1D750] =	vst v63  }
.LBB2_11:
0x1b8: {  	v14 =	vmov s28;
	_ =	sdelay $0x2  }
0x1b9: {  	s0 =	smul.u32 $0xFA0, s26  }
0x1ba: {  	s2 =	simm.s32 $0x0  }
0x1bb: {  	v12 =	vimm.f32 $-Inf;
	s1 =	simm.s32 $0x40;
	s0 =	sshra.s32 s0, $0x2;
	v13 =	vld.idx.msk [tilespmem:v14+s2+$0x0 ss:$0x1], $0xffff  }
.LBB2_12:
0x1bc: {  	p0 =	sne.s32 s1, $0xF40  }
.Ltmp4:
0x1bd: {  	_ = 	snop;
	(pc) =	sbr.rel @p0 .LBB2_12-.Ltmp4, $3  }
0x1be: {  	_ =	sdelay $0x1  }
0x1bf: {  	s2 =	sshra.s32 s1, $0x2;
	s1 =	sadd.s32 $0x40, s1  }
0x1c0: {  	v12 =	vmax.f32 v12, v13;
	v13 =	vld.idx.msk [tilespmem:v14+s2+$0x0 ss:$0x1], $0xffff  }
0x1c1: {  	v11 =	vld [tilespmem:s0+$0xF8E8];
	_ =	sdelay $0x3  }
0x1c2: {  	v12 =	vmax.f32 v12, v13  }
0x1c3: {  	v12 =	vmax.f32 v12, v11  }
0x1c4: {  	(xrf0) =	vmax.scan.msk.f32 $0xffff, v12;
	_ =	sdelay $0x5  }
0x1c5: {  	v12, _, _ =	vpop (xrf0)  }
0x1c6: {  	v12 =	vmul.f32 $3.333333510e-02, v12;
	_ =	sdelay $0x1  }
0x1c7: {  	v12 =	vbroadcast v12, $0xF;
	_ =	sdelay $0x1  }
0x1c8: {  	v13 =	vand.u32 $0x7FFFFFFF, v12  }
0x1c9: {  	v13 =	vmul.f32 $-2.000000000e+00, v13;
	_ =	sdelay $0x1  }
0x1ca: {  	v13 =	vmul.f32 $1.442695020e+00, v13;
	_ =	sdelay $0x1  }
0x1cb: {  	s1 =	simm.s32 $0x0;
	(erf) = vpow2.f32 v13  }
0x1cc: {  	v13 =	vld.idx.msk [tilespmem:v14+s1+$0x0 ss:$0x1], $0xffff;
	_ =	sdelay $0x3  }
0x1cd: {  	s2 =	simm.s32 $0x10  }
0x1ce: {  	v15 =	vld.idx.msk [tilespmem:v14+s2+$0x0 ss:$0x1], $0xffff;
	v16 =	vmul.f32 $3.333333510e-02, v13;
	_ =	sdelay $0x1  }
0x1cf: {  	v13 =	vand.u32 $0x7FFFFFFF, v16  }
0x1d0: {  	v13 =	vmul.f32 $-2.000000000e+00, v13;
	v17 =	vpop (erf)  }
0x1d1: {  	s19 =	simm.s32 $0x20;
	v18 =	vadd.f32 $1.000000000e+00, v17  }
0x1d2: {  	v19 =	vmul.f32 $3.333333510e-02, v15;
	v15 =	vld.idx.msk [tilespmem:v14+s19+$0x0 ss:$0x1], $0xffff;
	v13 =	vmul.f32 $1.442695020e+00, v13  }
0x1d3: {  	(erf) = vrcp.f32 v18  }
0x1d4: {  	v18 =	vand.u32 $0x7FFFFFFF, v19;
	(erf) = vpow2.f32 v13  }
0x1d5: {  	v13 =	vmul.f32 $-2.000000000e+00, v18;
	_ =	sdelay $0x1  }
0x1d6: {  	s20 =	simm.s32 $0x30;
	v20 =	vmul.f32 $3.333333510e-02, v15;
	v13 =	vmul.f32 $1.442695020e+00, v13  }
0x1d7: {  	v18 =	vld.idx.msk [tilespmem:v14+s20+$0x0 ss:$0x1], $0xffff  }
0x1d8: {  	(erf) = vpow2.f32 v13;
	v13 =	vand.u32 $0x7FFFFFFF, v20  }
0x1d9: {  	v13 =	vmul.f32 $-2.000000000e+00, v13;
	_ =	sdelay $0x1  }
0x1da: {  	s21 =	simm.s32 $0x40;
	v13 =	vmul.f32 $1.442695020e+00, v13;
	v21 =	vpop (erf)  }
0x1db: {  	v15 =	vmul.f32 $3.333333510e-02, v18;
	v18 =	vld.idx.msk [tilespmem:v14+s21+$0x0 ss:$0x1], $0xffff;
	v22 =	vpop (erf)  }
0x1dc: {  	(erf) = vpow2.f32 v13;
	v24 =	vadd.f32 $1.000000000e+00, v22  }
0x1dd: {  	v23 =	vand.u32 $0x7FFFFFFF, v15  }
0x1de: {  	v13 =	vmul.f32 $-2.000000000e+00, v23;
	(erf) = vrcp.f32 v24;
	_ =	sdelay $0x1  }
0x1df: {  	v18 =	vmul.f32 $3.333333510e-02, v18;
	v13 =	vmul.f32 $1.442695020e+00, v13;
	v23 =	vpop (erf)  }
0x1e0: {  	s22 =	simm.s32 $0x50;
	v24 =	vadd.f32 $1.000000000e+00, v23  }
0x1e1: {  	v25 =	vand.u32 $0x7FFFFFFF, v18;
	(erf) = vpow2.f32 v13;
	v13 =	vsub.f32 $1.000000000e+00, v17;
	v17 =	vld.idx.msk [tilespmem:v14+s22+$0x0 ss:$0x1], $0xffff  }
0x1e2: {  	(erf) = vrcp.f32 v24;
	v24 =	vmul.f32 $-2.000000000e+00, v25  }
0x1e3: {  	v22 =	vsub.f32 $1.000000000e+00, v22;
	v13 =	vmul.f32 $3.000000000e+01, v13  }
0x1e4: {  	v25 =	vpop (erf);
	v24 =	vmul.f32 $1.442695020e+00, v24  }
0x1e5: {  	s29 =	simm.s32 $0x60;
	v21 =	vmul.f32 v21, v13;
	v13 =	vmul.f32 $3.000000000e+01, v22;
	v22 =	vadd.f32 $1.000000000e+00, v25  }
0x1e6: {  	v26 =	vld.idx.msk [tilespmem:v14+s29+$0x0 ss:$0x1], $0xffff;
	vm9 =	vlt.f32 v12, $0.0e+00;
	v17 =	vmul.f32 $3.333333510e-02, v17;
	(erf) = vpow2.f32 v24;
	v12 =	vpop (erf)  }
0x1e7: {  	(erf) = vrcp.f32 v22;
	v24 =	vmul.f32 v12, v13  }
0x1e8: {  	v22 =	vsub.f32 $0.0e+00, v21;
	v12 =	vsub.f32 $1.000000000e+00, v23;
	v23 =	vand.u32 $0x7FFFFFFF, v17  }
0x1e9: {  	v23 =	vmul.f32 $-2.000000000e+00, v23;
	v27 =	vsub.f32 $0.0e+00, v24  }
0x1ea: {  	s30 =	simm.s32 $0x70;
	v28 =	vpop (erf);
	v29 =	vmul.f32 $3.000000000e+01, v12;
	v12 =	vsel vm9, v22, v21;
	vm9 =	vlt.f32 v16, $0.0e+00  }
0x1eb: {  	v16 =	vmul.f32 $3.333333510e-02, v26;
	v22 =	vld.idx.msk [tilespmem:v14+s30+$0x0 ss:$0x1], $0xffff;
	v21 =	vpop (erf);
	v24 =	vsel vm9, v27, v24  }
0x1ec: {  	v23 =	vmul.f32 $1.442695020e+00, v23;
	v26 =	vmul.f32 v21, v29;
	v21 =	vsub.f32 v24, v12  }
0x1ed: {  	v27 =	vadd.f32 $1.000000000e+00, v28;
	v24 =	vand.u32 $0x7FFFFFFF, v16  }
0x1ee: {  	vm9 =	vlt.f32 v19, $0.0e+00;
	(erf) = vpow2.f32 v23;
	v24 =	vmul.f32 $-2.000000000e+00, v24  }
0x1ef: {  	v23 =	vsub.f32 $1.000000000e+00, v25;
	(erf) = vrcp.f32 v27;
	v29 =	vmul.f32 $1.442695020e+00, v21  }
0x1f0: {  	v25 =	vsub.f32 $0.0e+00, v26;
	v19 =	vmul.f32 $3.333333510e-02, v22;
	v22 =	vmul.f32 $1.442695020e+00, v24;
	v21 =	vpop (erf)  }
0x1f1: {  	(erf) = vpow2.f32 v29;
	v27 =	vadd.f32 $1.000000000e+00, v21  }
0x1f2: {  	s31 =	simm.s32 $0x80;
	v23 =	vmul.f32 $3.000000000e+01, v23;
	v25 =	vsel vm9, v25, v26;
	(erf) = vpow2.f32 v22  }
0x1f3: {  	v25 =	vsub.f32 v25, v12;
	v24 =	vpop (erf);
	v22 =	vld.idx.msk [tilespmem:v14+s31+$0x0 ss:$0x1], $0xffff;
	(erf) = vrcp.f32 v27  }
0x1f4: {  	v23 =	vmul.f32 v24, v23  }
0x1f5: {  	v13 =	vimm.f32 $0.0e+00;
	v26 =	vmul.f32 $1.442695020e+00, v25  }
0x1f6: {  	s0 =	simm.s32 $0x240;
	v24 =	vand.u32 $0x7FFFFFFF, v19;
	v25 =	vsub.f32 $1.000000000e+00, v28;
	v27 =	vsub.f32 $0.0e+00, v23  }
.LBB2_14:
0x1f7: {  	s1 =	sshra.s32 s0, $0x2;
	v24 =	vmul.f32 $-2.000000000e+00, v24;
	vm9 =	vlt.f32 v20, $0.0e+00;
	(erf) = vpow2.f32 v26;
	v20 =	vmovc v15;
	v15 =	vmovc v18;
	p0 =	sne.s32 s0, $0xF40  }
.Ltmp5:
0x1f8: {  	v28 =	vmul.f32 $3.333333510e-02, v22;
	v22 =	vld.idx.msk [tilespmem:v14+s1+$0x0 ss:$0x1], $0xffff;
	v29 =	vpop (erf);
	v25 =	vmul.f32 $3.000000000e+01, v25;
	v30 =	vsel vm9, v27, v23;
	(pc) =	sbr.rel @p0 .LBB2_14-.Ltmp5, $4  }
0x1f9: {  	v18 =	vmov v17;
	v26 =	vmul.f32 $1.442695020e+00, v24;
	v23 =	vpop (erf);
	v27 =	vsub.f32 v30, v12  }
0x1fa: {  	s0 =	sadd.s32 $0x40, s0;
	v24 =	vand.u32 $0x7FFFFFFF, v28;
	v30 =	vadd.f32 $1.000000000e+00, v29;
	v23 =	vmul.f32 v23, v25;
	v17 =	vpop (erf)  }
0x1fb: {  	(erf) = vpow2.f32 v26;
	v26 =	vmul.f32 $1.442695020e+00, v27;
	v13 =	vadd.f32 v17, v13;
	v17 =	vmovc v16;
	v16 =	vmovc v19  }
0x1fc: {  	v25 =	vsub.f32 $1.000000000e+00, v21;
	v21 =	vmovc v29;
	v19 =	vmovc v28;
	(erf) = vrcp.f32 v30;
	v27 =	vsub.f32 $0.0e+00, v23  }
0x1fd: {  	v14 =	vmul.f32 $-2.000000000e+00, v24;
	vm9 =	vlt.f32 v20, $0.0e+00;
	v56 =	vmul.f32 $3.333333510e-02, v22  }
0x1fe: {  	v57 =	vsel vm9, v27, v23;
	v25 =	vmul.f32 $3.000000000e+01, v25  }
0x1ff: {  	v58 =	vpop (erf);
	v14 =	vmul.f32 $1.442695020e+00, v14;
	v22 =	vsub.f32 v57, v12;
	v59 =	vand.u32 $0x7FFFFFFF, v56  }
0x200: {  	(erf) = vpow2.f32 v26;
	v60 =	vadd.f32 $1.000000000e+00, v58;
	v24 =	vmul.f32 $-2.000000000e+00, v59  }
0x201: {  	(erf) = vpow2.f32 v14;
	v61 =	vmul.f32 $1.442695020e+00, v22  }
0x202: {  	v21 =	vsub.f32 $1.000000000e+00, v21;
	v62 =	vpop (erf);
	(erf) = vrcp.f32 v60;
	v24 =	vmul.f32 $1.442695020e+00, v24  }
0x203: {  	v22 =	vmul.f32 v62, v25;
	v25 =	vpop (erf);
	(erf) = vpow2.f32 v61  }
0x204: {  	v21 =	vmul.f32 $3.000000000e+01, v21;
	v63 =	vpop (erf);
	(erf) = vpow2.f32 v24  }
0x205: {  	v28 =	vpop (erf)  }
0x206: {  	v29 =	vsub.f32 $0.0e+00, v22;
	v21 =	vmul.f32 v28, v21  }
0x207: {  	vm9 =	vlt.f32 v15, $0.0e+00  }
0x208: {  	v15 =	vsel vm9, v29, v22;
	v30 =	vsub.f32 $0.0e+00, v21  }
0x209: {  	vm9 =	vlt.f32 v18, $0.0e+00;
	v15 =	vsub.f32 v15, v12;
	v31 =	vpop (erf)  }
0x20a: {  	v32 =	vadd.f32 $1.000000000e+00, v63;
	v33 =	vpop (erf);
	v21 =	vsel vm9, v30, v21  }
0x20b: {  	v15 =	vmul.f32 $1.442695020e+00, v15;
	v34 =	vpop (erf);
	v21 =	vsub.f32 v21, v12  }
0x20c: {  	(erf) = vrcp.f32 v32;
	v35 =	vadd.f32 $1.000000000e+00, v33;
	v36 =	vpop (erf)  }
0x20d: {  	(erf) = vpow2.f32 v15;
	v37 =	vmul.f32 $1.442695020e+00, v21;
	v38 =	vpop (erf)  }
0x20e: {  	(erf) = vrcp.f32 v35;
	v39 =	vadd.f32 $1.000000000e+00, v38  }
0x20f: {  	(erf) = vpow2.f32 v37  }
0x210: {  	v40 =	vsub.f32 $1.000000000e+00, v58;
	(erf) = vrcp.f32 v39;
	_ =	sdelay $0x1  }
0x211: {  	v15 =	vmul.f32 $3.000000000e+01, v40;
	_ =	sdelay $0x1  }
0x212: {  	v14 =	vsub.f32 $1.000000000e+00, v63;
	v15 =	vmul.f32 v34, v15  }
0x213: {  	v42 =	vsub.f32 $1.000000000e+00, v33;
	v41 =	vpop (erf)  }
0x214: {  	v14 =	vmul.f32 $3.000000000e+01, v14;
	v21 =	vsub.f32 $1.000000000e+00, v38;
	v43 =	vsub.f32 $0.0e+00, v15;
	v44 =	vpop (erf)  }
0x215: {  	vm9 =	vlt.f32 v17, $0.0e+00;
	v45 =	vmul.f32 $3.000000000e+01, v42;
	v46 =	vpop (erf)  }
0x216: {  	v21 =	vmul.f32 $3.000000000e+01, v21;
	v15 =	vsel vm9, v43, v15;
	v14 =	vmul.f32 v41, v14;
	v47 =	vpop (erf)  }
0x217: {  	v15 =	vsub.f32 v15, v12;
	v17 =	vmul.f32 v46, v45;
	v49 =	vpop (erf)  }
0x218: {  	v11 =	vmul.f32 $3.333333510e-02, v11;
	v48 =	vsub.f32 $0.0e+00, v14;
	v50 =	vmul.f32 v49, v21  }
0x219: {  	vm9 =	vlt.f32 v16, $0.0e+00;
	v15 =	vmul.f32 $1.442695020e+00, v15;
	v51 =	vsub.f32 $0.0e+00, v17  }
0x21a: {  	v14 =	vsel vm9, v48, v14;
	vm9 =	vlt.f32 v19, $0.0e+00;
	v52 =	vsub.f32 $0.0e+00, v50  }
0x21b: {  	v14 =	vsub.f32 v14, v12;
	v17 =	vsel vm9, v51, v17;
	vm9 =	vlt.f32 v56, $0.0e+00  }
0x21c: {  	v54 =	vand.u32 $0x7FFFFFFF, v11;
	v53 =	vsub.f32 v17, v12;
	v16 =	vsel vm9, v52, v50  }
0x21d: {  	(erf) = vpow2.f32 v15;
	v14 =	vmul.f32 $1.442695020e+00, v14;
	v16 =	vsub.f32 v16, v12  }
0x21e: {  	v17 =	vmul.f32 $-2.000000000e+00, v54;
	v15 =	vmul.f32 $1.442695020e+00, v53  }
0x21f: {  	(erf) = vpow2.f32 v14;
	v55 =	vmul.f32 $1.442695020e+00, v16  }
0x220: {  	v56 =	vmul.f32 $1.442695020e+00, v17;
	(erf) = vpow2.f32 v15  }
0x221: {  	(erf) = vpow2.f32 v55  }
0x222: {  	(erf) = vpow2.f32 v56;
	_ =	sdelay $0x4  }
0x223: {  	v57 =	vpop (erf)  }
0x224: {  	v58 =	vpop (erf)  }
0x225: {  	v59 =	vpop (erf)  }
0x226: {  	v60 =	vpop (erf)  }
0x227: {  	v61 =	vpop (erf)  }
0x228: {  	v62 =	vadd.f32 $1.000000000e+00, v61;
	_ =	sdelay $0x1  }
0x229: {  	(erf) = vrcp.f32 v62;
	_ =	sdelay $0x5  }
0x22a: {  	v18 =	vsub.f32 $1.000000000e+00, v61;
	_ =	sdelay $0x1  }
0x22b: {  	v18 =	vmul.f32 $3.000000000e+01, v18  }
0x22c: {  	v19 =	vpop (erf)  }
0x22d: {  	v18 =	vmul.f32 v19, v18;
	_ =	sdelay $0x1  }
0x22e: {  	v13 =	vadd.f32 v25, v13;
	v19 =	vsub.f32 $0.0e+00, v18  }
0x22f: {  	vm9 =	vlt.f32 v11, $0.0e+00  }
0x230: {  	v11 =	vadd.f32 v31, v13;
	v63 =	vsel vm9, v19, v18  }
0x231: {  	v13 =	vsub.f32 v63, v12  }
0x232: {  	v11 =	vadd.f32 v36, v11  }
0x233: {  	v13 =	vmul.f32 $1.442695020e+00, v13  }
0x234: {  	v11 =	vadd.f32 v44, v11  }
0x235: {  	(erf) = vpow2.f32 v13  }
0x236: {  	v11 =	vadd.f32 v47, v11;
	_ =	sdelay $0x1  }
0x237: {  	v11 =	vadd.f32 v57, v11;
	_ =	sdelay $0x1  }
0x238: {  	v11 =	vadd.f32 v58, v11;
	_ =	sdelay $0x1  }
0x239: {  	v11 =	vadd.f32 v59, v11;
	_ =	sdelay $0x1  }
0x23a: {  	v11 =	vadd.f32 v60, v11;
	v13 =	vpop (erf)  }
0x23b: {  	v13 =	vsel vm8, $0x0, v13  }
0x23c: {  	v11 =	vadd.f32 v11, v13;
	_ =	sdelay $0x1  }
0x23d: {  	(xrf2) =	vadd.scan.msk.f32 $0xffff, v11;
	_ =	sdelay $0x6  }
0x23e: {  	s0 =	sshll.u32 s26, $0x4;
	s26 =	sadd.s32 $0x1, s26  }
0x23f: {  	p0 =	sne.s32 s26, $0x38  }
.Ltmp6:
0x240: {  	_ = 	snop;
	(pc) =	sbr.rel @p0 .LBB2_11-.Ltmp6, $4  }
0x241: {  	v11, _, _ =	vpop (xrf2)  }
0x242: {  	v11 =	vbroadcast v11, $0xF  }
0x243: {  	[tilespmem:s0+$0x1CFD0] =	vst v12  }
0x244: {  	s28 =	sadd.s32 $0x3E8, s28;
	[tilespmem:s0+$0x1D350] =	vst v11  }
0x245: {  	v11 =	vld [tilespmem:s25+$0x1420];
	_ =	sdelay $0x4  }
0x246: {  	vm9 =	vgt.s32 v11, $0x0  }
0x247: {  	v11 =	vnsel vm9, $0x0, v11  }
0x248: {  	v11 =	vmin.u32 v11, $0x3E7  }
0x249: {  	v11 =	vadd.s32 v3, v11;
	_ =	sdelay $0x4  }
0x24a: {  	v11 =	vld.idx.msk [tilespmem:v11+s13+$0x0], $0xffff;
	_ =	sdelay $0x4  }
0x24b: {  	v11 =	vmul.f32 $3.333333510e-02, v11;
	_ =	sdelay $0x1  }
0x24c: {  	v12 =	vand.u32 $0x7FFFFFFF, v11  }
0x24d: {  	v12 =	vmul.f32 $-2.000000000e+00, v12;
	_ =	sdelay $0x1  }
0x24e: {  	v12 =	vmul.f32 $1.442695020e+00, v12;
	_ =	sdelay $0x1  }
0x24f: {  	(erf) = vpow2.f32 v12;
	_ =	sdelay $0x8  }
0x250: {  	v12 =	vpop (erf)  }
0x251: {  	v13 =	vadd.f32 $1.000000000e+00, v12;
	_ =	sdelay $0x1  }
0x252: {  	(erf) = vrcp.f32 v13;
	_ =	sdelay $0x5  }
0x253: {  	v12 =	vsub.f32 $1.000000000e+00, v12;
	_ =	sdelay $0x1  }
0x254: {  	v12 =	vmul.f32 $3.000000000e+01, v12  }
0x255: {  	v13 =	vpop (erf)  }
0x256: {  	v51 =	vld.idx.msk [tilespmem:v4+s14+$0x0], $0xffff;
	v12 =	vmul.f32 v13, v12  }
0x257: {  	vm9 =	vlt.f32 v11, $0.0e+00;
	v11 =	vld.idx.msk [tilespmem:v4+s15+$0x0], $0xffff  }
0x258: {  	v14 =	vsub.f32 $0.0e+00, v12;
	_ =	sdelay $0x1  }
0x259: {  	v12 =	vsel vm9, v14, v12  }
0x25a: {  	v12 =	vsub.f32 v51, v12  }
0x25b: {  	[tilespmem:$0x1D710] =	vst v11  }
0x25c: {  	[tilespmem:$0x1D6D0] =	vst v12  }
0x25d: {  	v11 =	vld [tilespmem:s25+$0x1430];
	_ =	sdelay $0x4  }
0x25e: {  	vm9 =	vgt.s32 v11, $0x0  }
0x25f: {  	v11 =	vnsel vm9, $0x0, v11  }
0x260: {  	v11 =	vmin.u32 v11, $0x3E7  }
0x261: {  	v11 =	vadd.s32 v5, v11;
	_ =	sdelay $0x4  }
0x262: {  	v11 =	vld.idx.msk [tilespmem:v11+s13+$0x0], $0xffff;
	_ =	sdelay $0x4  }
0x263: {  	v11 =	vmul.f32 $3.333333510e-02, v11;
	_ =	sdelay $0x1  }
0x264: {  	v52 =	vand.u32 $0x7FFFFFFF, v11  }
0x265: {  	v12 =	vmul.f32 $-2.000000000e+00, v52;
	_ =	sdelay $0x1  }
0x266: {  	v12 =	vmul.f32 $1.442695020e+00, v12;
	_ =	sdelay $0x1  }
0x267: {  	(erf) = vpow2.f32 v12;
	_ =	sdelay $0x8  }
0x268: {  	v12 =	vpop (erf)  }
0x269: {  	v53 =	vadd.f32 $1.000000000e+00, v12;
	_ =	sdelay $0x1  }
0x26a: {  	(erf) = vrcp.f32 v53;
	_ =	sdelay $0x5  }
0x26b: {  	v12 =	vsub.f32 $1.000000000e+00, v12;
	_ =	sdelay $0x1  }
0x26c: {  	v12 =	vmul.f32 $3.000000000e+01, v12  }
0x26d: {  	v13 =	vpop (erf)  }
0x26e: {  	v54 =	vld.idx.msk [tilespmem:v6+s14+$0x0], $0xffff;
	v12 =	vmul.f32 v13, v12  }
0x26f: {  	vm9 =	vlt.f32 v11, $0.0e+00;
	v11 =	vld.idx.msk [tilespmem:v6+s15+$0x0], $0xffff  }
0x270: {  	v55 =	vsub.f32 $0.0e+00, v12;
	_ =	sdelay $0x1  }
0x271: {  	v12 =	vsel vm9, v55, v12  }
0x272: {  	v12 =	vsub.f32 v54, v12  }
0x273: {  	[tilespmem:$0x1D720] =	vst v11  }
0x274: {  	[tilespmem:$0x1D6E0] =	vst v12  }
0x275: {  	v11 =	vld [tilespmem:s25+$0x1440];
	_ =	sdelay $0x4  }
0x276: {  	vm9 =	vgt.s32 v11, $0x0  }
0x277: {  	v11 =	vnsel vm9, $0x0, v11  }
0x278: {  	v11 =	vmin.u32 v11, $0x3E7  }
0x279: {  	v11 =	vadd.s32 v7, v11;
	_ =	sdelay $0x4  }
0x27a: {  	v11 =	vld.idx.msk [tilespmem:v11+s13+$0x0], $0xffff;
	_ =	sdelay $0x4  }
0x27b: {  	v11 =	vmul.f32 $3.333333510e-02, v11;
	_ =	sdelay $0x1  }
0x27c: {  	v56 =	vand.u32 $0x7FFFFFFF, v11  }
0x27d: {  	v12 =	vmul.f32 $-2.000000000e+00, v56;
	_ =	sdelay $0x1  }
0x27e: {  	v12 =	vmul.f32 $1.442695020e+00, v12;
	_ =	sdelay $0x1  }
0x27f: {  	(erf) = vpow2.f32 v12;
	_ =	sdelay $0x8  }
0x280: {  	v12 =	vpop (erf)  }
0x281: {  	v57 =	vadd.f32 $1.000000000e+00, v12;
	_ =	sdelay $0x1  }
0x282: {  	(erf) = vrcp.f32 v57;
	_ =	sdelay $0x5  }
0x283: {  	v12 =	vsub.f32 $1.000000000e+00, v12;
	_ =	sdelay $0x1  }
0x284: {  	v12 =	vmul.f32 $3.000000000e+01, v12  }
0x285: {  	v13 =	vpop (erf)  }
0x286: {  	v58 =	vld.idx.msk [tilespmem:v8+s14+$0x0], $0xffff;
	v12 =	vmul.f32 v13, v12  }
0x287: {  	vm9 =	vlt.f32 v11, $0.0e+00;
	v11 =	vld.idx.msk [tilespmem:v8+s15+$0x0], $0xffff  }
0x288: {  	v59 =	vsub.f32 $0.0e+00, v12;
	_ =	sdelay $0x1  }
0x289: {  	v12 =	vsel vm9, v59, v12  }
0x28a: {  	v12 =	vsub.f32 v58, v12  }
0x28b: {  	[tilespmem:$0x1D730] =	vst v11  }
0x28c: {  	[tilespmem:$0x1D6F0] =	vst v12  }
0x28d: {  	v11 =	vld [tilespmem:s25+$0x1450];
	_ =	sdelay $0x4  }
0x28e: {  	vm9 =	vgt.s32 v11, $0x0  }
0x28f: {  	v11 =	vnsel vm9, $0x0, v11  }
0x290: {  	v11 =	vmin.u32 v11, $0x3E7  }
0x291: {  	v11 =	vadd.s32 v9, v11;
	_ =	sdelay $0x4  }
0x292: {  	v11 =	vld.idx.msk [tilespmem:v11+s13+$0x0], $0xffff;
	_ =	sdelay $0x4  }
0x293: {  	v11 =	vmul.f32 $3.333333510e-02, v11;
	_ =	sdelay $0x1  }
0x294: {  	v60 =	vand.u32 $0x7FFFFFFF, v11  }
0x295: {  	v12 =	vmul.f32 $-2.000000000e+00, v60;
	_ =	sdelay $0x1  }
0x296: {  	v12 =	vmul.f32 $1.442695020e+00, v12;
	_ =	sdelay $0x1  }
0x297: {  	(erf) = vpow2.f32 v12;
	_ =	sdelay $0x8  }
0x298: {  	v12 =	vpop (erf)  }
0x299: {  	v61 =	vadd.f32 $1.000000000e+00, v12;
	_ =	sdelay $0x1  }
0x29a: {  	(erf) = vrcp.f32 v61;
	_ =	sdelay $0x5  }
0x29b: {  	v12 =	vsub.f32 $1.000000000e+00, v12;
	_ =	sdelay $0x1  }
0x29c: {  	v12 =	vmul.f32 $3.000000000e+01, v12  }
0x29d: {  	v13 =	vpop (erf)  }
0x29e: {  	v62 =	vld.idx.msk [tilespmem:v10+s14+$0x0], $0xffff;
	v12 =	vmul.f32 v13, v12  }
0x29f: {  	vm9 =	vlt.f32 v11, $0.0e+00;
	v11 =	vld.idx.msk [tilespmem:v10+s15+$0x0], $0xffff  }
0x2a0: {  	v63 =	vsub.f32 $0.0e+00, v12;
	_ =	sdelay $0x1  }
0x2a1: {  	v12 =	vsel vm9, v63, v12  }
0x2a2: {  	s0 =	sadd.s32 s3, s25;
	v12 =	vsub.f32 v62, v12  }
0x2a3: {  	s0 =	sshrl.u32 s0, $0x3;
	[tilespmem:$0x1D740] =	vst v11  }
0x2a4: {  	s1 =	sadd.s32 s6, s0;
	[tilespmem:$0x1D700] =	vst v12  }
0x2a5: {  	[hbm4b:s1+s10] =	stream.linear.scatter [tilespmem:s16], [sflag:$0x3], $0x38, $0x38;
	[tilespmem:$0x1D750] =	vst v63  }
0x2a6: {  	s24 =	sadd.s32 $0x1, s24;
	_ =	swait.ge [sflag:s4], $0x38  }
0x2a7: {  	p0 =	sne.s32 s24, $0xE;
	[sflag:s4] =	ssyncset.done $0x0  }
.Ltmp7:
0x2a8: {  	s0 =	sadd.s32 s7, s0;
	[sflag:s4] =	ssyncadd.s32 $0xFFFFFFC8;
	(pc) =	sbr.rel @p0 .LBB2_4-.Ltmp7, $4  }
0x2a9: {  	[hbm4b:s0+s10] =	stream.linear.scatter [tilespmem:s17], [sflag:$0x3], $0x38, $0x38;
	[tilespmem:$0x1D750] =	vst v63  }
0x2aa: {  	_ =	swait.ge [sflag:s4], $0x38  }
0x2ab: {  	[sflag:s4] =	ssyncset.done $0x0  }
0x2ac: {  	s23 =	sadd.s32 $0x2, s23;
	[sflag:s4] =	ssyncadd.s32 $0xFFFFFFC8  }
0x2ad: {  	s1 =	rddreg [dreg:$0x12]  }
0x2ae: {  	s0 =	rddreg [dreg:$0x11];
	s1 =	sadd.s32 $0x1, s1  }
0x2af: {  	p0 =	sne.s32 s1, s0  }
.Ltmp8:
0x2b0: {  	_ = 	snop;
	(pc) =	sbr.rel @p0 .LBB2_1-.Ltmp8, $2  }
0x2b1: {  	_ =	sdelay $0x2  }
0x2b2: {  	vm9 =	vcmask $0x704  }
0x2b3: {  	_ =	sfence.sel $0x180000  }
0x2b4: {  	[bflag:$0x0] =	sbarrier.arrive $0xFFFF  }
0x2b5: {  	_ =	strace $0x90000047  }
0x2b6: {  	s0 =	stileid.u32;
	[bflag:$0x2] =	sbarrier.arrive $0xFFFF  }
0x2b7: {  	p0 =	sne.s32 s0, $0x0;
	s0 =	rddreg [dreg:$0x1]  }
0x2b8: {  	s0 =	sadd.s32 @!p0 $0x100000, s0  }
0x2b9: {  	[sflag:s0] =	ssyncadd.tile.s32 @!p0 $0x1;
	_ =	shalt  }
.Lfunc_end2:
_tile_overlayer_lowered:
.L_overlay_start_2:
0x2ba: {  	(tag) =	ssettag $0x2  }
0x2bb: {  	s0 =	rddreg [dreg:$0x0];
	s2 =	stileid.u32  }
0x2bc: {  	s1 =	rddreg [dreg:$0x1];
	p0 =	sne.s32 s2, $0x0  }
0x2bd: {  	s3 =	rddreg [dreg:$0x2];
	[bflag:$0x3] =	sbarrier.arrive $0xFFFF;
	s2 =	simm.s32 @!p0 $0x1C03  }
0x2be: {  	[timem:s3], [sflag:s2] =	dma.local @!p0 [hbm:s0], s1  }
0x2bf: {  	s0 =	simm.s32 @!p0 $0x3  }
0x2c0: {  	_ =	swait.ge @!p0 [sflag:s0], s1  }
0x2c1: {  	s1 =	ssub.s32 @!p0 $0x0, s1;
	[sflag:s0] =	ssyncset.done @!p0 $0x0  }
0x2c2: {  	[sflag:s0] =	ssyncadd.s32 @!p0 s1  }
0x2c3: {  	[bflag:$0x3] =	sbarrier.arrive $0xFFFF  }
0x2c4: {  	_ =	shalt  }

</sc_bundles>
